<compile_context>
chip_gen: v7x
topology: tpu7x:2x2x1
jax: 0.10.2.dev20260603
libtpu: 0.0.44.dev20260713+nightly
codegen_flags: <defaults>
</compile_context>

<pallas_src>
import functools

import jax
import jax.numpy as jnp
from jax import lax
from jax.experimental import pallas as pl
from jax.experimental.pallas import tpu as pltpu
from jax.experimental.pallas import tpu_sc as plsc

NUM_EXPERTS = 16
TOP_K = 2
TOKENS = 16384
D_MODEL = 2048

BLOCK_T = 1024
D_HALF = D_MODEL // 2

NUM_WORKERS = 32
TOK_W = TOKENS // NUM_WORKERS


def _logits_kernel(xa_ref, xb_ref, wta_ref, wtb_ref, lt_ref):
    logits = jnp.dot(
        xa_ref[...], wta_ref[...], preferred_element_type=jnp.float32
    ) + jnp.dot(xb_ref[...], wtb_ref[...], preferred_element_type=jnp.float32)
    lt_ref[...] = logits.T


def _tc_logits(x, wt):
    grid = (TOKENS // BLOCK_T,)
    return pl.pallas_call(
        _logits_kernel,
        grid=grid,
        in_specs=[
            pl.BlockSpec((BLOCK_T, D_HALF), lambda i: (i, 0)),
            pl.BlockSpec((BLOCK_T, D_HALF), lambda i: (i, 1)),
            pl.BlockSpec((D_HALF, NUM_EXPERTS), lambda i: (0, 0)),
            pl.BlockSpec((D_HALF, NUM_EXPERTS), lambda i: (0, 0)),
        ],
        out_specs=[
            pl.BlockSpec((NUM_EXPERTS, BLOCK_T), lambda i: (0, i)),
        ],
        out_shape=[
            jax.ShapeDtypeStruct((NUM_EXPERTS, TOKENS), jnp.float32),
        ],
        compiler_params=pltpu.CompilerParams(
            dimension_semantics=("parallel",),
        ),
    )(x, x, wt[:D_HALF], wt[D_HALF:])[0]


def _sc_route(lt_hbm, ew_out, meta_out, ltv, ewv, mv):
    c = lax.axis_index("c")
    s = lax.axis_index("s")
    wid = s * 2 + c
    tok_base = wid * TOK_W
    pltpu.sync_copy(lt_hbm.at[:, pl.ds(tok_base, TOK_W)], ltv)

    neg_inf = jnp.float32(-jnp.inf)

    def group_body(tg, carry):
        col = tg * 16
        lg = [ltv[e, pl.ds(col, 16)] for e in range(NUM_EXPERTS)]

        m0 = lg[0]
        for e in range(1, NUM_EXPERTS):
            m0 = jnp.maximum(m0, lg[e])
        i0 = jnp.full((16,), 0.0, jnp.float32)
        for e in range(NUM_EXPERTS - 1, -1, -1):
            i0 = jnp.where(lg[e] == m0, jnp.float32(e), i0)

        lm = [jnp.where(i0 == jnp.float32(e), neg_inf, lg[e])
              for e in range(NUM_EXPERTS)]
        m1 = lm[0]
        for e in range(1, NUM_EXPERTS):
            m1 = jnp.maximum(m1, lm[e])
        i1 = jnp.full((16,), 0.0, jnp.float32)
        for e in range(NUM_EXPERTS - 1, -1, -1):
            i1 = jnp.where(lm[e] == m1, jnp.float32(e), i1)

        ev = jnp.exp(m1 - m0)
        wn0 = 1.0 / (1.0 + ev)
        wn1 = ev / (1.0 + ev)
        for e in range(NUM_EXPERTS):
            ef = jnp.float32(e)
            ewv[e, pl.ds(col, 16)] = (
                wn0 * (i0 == ef).astype(jnp.float32)
                + wn1 * (i1 == ef).astype(jnp.float32)
            )
        mv[0, pl.ds(col, 16)] = wn0
        mv[1, pl.ds(col, 16)] = wn1
        mv[2, pl.ds(col, 16)] = i0
        mv[3, pl.ds(col, 16)] = i1
        return carry

    lax.fori_loop(0, TOK_W // 16, group_body, jnp.int32(0))

    pltpu.sync_copy(ewv, ew_out.at[:, pl.ds(tok_base, TOK_W)])
    pltpu.sync_copy(mv, meta_out.at[:, pl.ds(tok_base, TOK_W)])


def _sc_part(lt):
    mesh = plsc.VectorSubcoreMesh(core_axis_name="c", subcore_axis_name="s")
    sc = functools.partial(
        pl.kernel,
        mesh=mesh,
        out_type=[
            jax.ShapeDtypeStruct((NUM_EXPERTS, TOKENS), jnp.float32),
            jax.ShapeDtypeStruct((4, TOKENS), jnp.float32),
        ],
        scratch_types=[
            pltpu.VMEM((NUM_EXPERTS, TOK_W), jnp.float32),
            pltpu.VMEM((NUM_EXPERTS, TOK_W), jnp.float32),
            pltpu.VMEM((4, TOK_W), jnp.float32),
        ],
        compiler_params=pltpu.CompilerParams(
            use_tc_tiling_on_sc=False, needs_layout_passes=False
        ),
    )(_sc_route)
    return sc(lt)


@jax.jit
def kernel(inputs, W):
    x = inputs.astype(jnp.float32)
    wt = W.T
    lt = _tc_logits(x, wt)
    ew_sc, meta_sc = _sc_part(lt)

    w = meta_sc[0:2].T
    i = meta_sc[2:4].T.astype(jnp.int32)
    return w, i, ew_sc

# --- scband reference (transcript-rebuilt; emitter-appended) ---
"""Pipeline reference for scband-router-14869176779097 (READ-ONLY COPY).

The authoritative reference and input builder live on the scoring server;
editing this copy changes nothing except your own understanding.
"""

import jax, jax.numpy as jnp
import numpy as np

NUM_EXPERTS = 16
TOP_K = 2
TOKENS = 16384
D_MODEL = 2048


def setup_inputs(seed: int = 0) -> dict:
    key = jax.random.key(seed)
    k1, k2 = jax.random.split(key)
    inputs = jax.random.normal(k1, (TOKENS, D_MODEL), dtype=jnp.float32)
    # gate_layer weight: torch.nn.Linear(virtual_token_dim, num_experts, bias=False) -> W[num_experts, d_model]
    W = jax.random.normal(k2, (NUM_EXPERTS, D_MODEL), dtype=jnp.float32) * 0.02
    return {"inputs": inputs, "W": W}


def reference(inputs, W):
    inputs = inputs.astype(jnp.float32)
    router_logits = inputs @ W.T  # [T, E]
    router_weights = jax.nn.softmax(router_logits, axis=1)
    selected_router_weight, selected_expert_idx = jax.lax.top_k(router_weights, TOP_K)
    selected_router_weight = selected_router_weight / jnp.sum(
        selected_router_weight, axis=-1, keepdims=True
    )
    # Dense encoding of expert_info: expert_weight[e, t] = routing weight of token t
    # for expert e (0 if token t is not routed to expert e). This is the static-shape
    # jax equivalent of the torch dict {e: [token_ids, weights]} built via torch.where.
    one_hot = jax.nn.one_hot(selected_expert_idx, NUM_EXPERTS, dtype=selected_router_weight.dtype)  # [T, K, E]
    expert_weight = jnp.einsum('tke,tk->et', one_hot, selected_router_weight)  # [E, T]
    return selected_router_weight, selected_expert_idx, expert_weight

if __name__ == "__main__":
    import jax
    _d = setup_inputs()
    print(jax.jit(kernel)(*tuple(_d.values())))

</pallas_src>

<mosaic_0001>
#map = affine_map<(d0, d1) -> (0, 0)>
module attributes {stable_mosaic.version = 14 : i64} {
  func.func @_sc_route(%arg0: i32, %arg1: i32, %arg2: memref<16x16384xf32, #tpu.memory_space<hbm>>, %arg3: memref<16x16384xf32, #tpu.memory_space<hbm>>, %arg4: memref<4x16384xf32, #tpu.memory_space<hbm>>, %arg5: memref<16x512xf32, #tpu.memory_space<vmem>>, %arg6: memref<16x512xf32, #tpu.memory_space<vmem>>, %arg7: memref<4x512xf32, #tpu.memory_space<vmem>>) attributes {dimension_semantics = [#tpu.dimension_semantics<core_parallel>, #tpu.dimension_semantics<subcore_parallel>], iteration_bounds = array<i64: 2, 16>, scalar_prefetch = 0 : i64, scratch_operands = 3 : i64, tpu.core_type = #tpu.core_type<sc_vector_subcore>, window_params = [{transform_indices = #map}, {transform_indices = #map}, {transform_indices = #map}]} {
    %mul3A = arith.constant 2 : i32
    %mul3A_0 = arith.muli %arg1, %mul3A : i32
    %add3A = arith.addi %mul3A_0, %arg0 : i32
    %mul3A_1 = arith.constant 512 : i32
    %mul3A_2 = arith.muli %add3A, %mul3A_1 : i32
    "tpu.region"() ({
      %run_scoped3A = tpu.sem_alloc : memref<!tpu.dma_semaphore, #tpu.memory_space<semaphore_mem>>
      %dma_start3A = arith.constant 0 : i32
      %dma_start3A_9 = tpu.memref_slice %arg2[%dma_start3A, %mul3A_2] : memref<16x16384xf32, #tpu.memory_space<hbm>> -> memref<16x512xf32, #tpu.memory_space<hbm>>
      %dma_start3A_10 = arith.constant 0 : i32
      %dma_start3A_11 = tpu.memref_slice %arg2[%dma_start3A_10, %mul3A_2] : memref<16x16384xf32, #tpu.memory_space<hbm>> -> memref<16x512xf32, #tpu.memory_space<hbm>>
      tpu.enqueue_dma source(%dma_start3A_11 : memref<16x512xf32, #tpu.memory_space<hbm>>) target(%arg5 : memref<16x512xf32, #tpu.memory_space<vmem>>) target_semaphore(%run_scoped3A : memref<!tpu.dma_semaphore, #tpu.memory_space<semaphore_mem>>)
      %dma_wait3A = arith.constant 0 : i32
      %dma_wait3A_12 = tpu.memref_slice %arg2[%dma_wait3A, %mul3A_2] : memref<16x16384xf32, #tpu.memory_space<hbm>> -> memref<16x512xf32, #tpu.memory_space<hbm>>
      %dma_wait3A_13 = arith.constant 0 : i32
      %dma_wait3A_14 = tpu.memref_slice %arg2[%dma_wait3A_13, %mul3A_2] : memref<16x16384xf32, #tpu.memory_space<hbm>> -> memref<16x512xf32, #tpu.memory_space<hbm>>
      tpu.wait_dma2 semaphore(%run_scoped3A : memref<!tpu.dma_semaphore, #tpu.memory_space<semaphore_mem>>) src(%dma_wait3A_14 : memref<16x512xf32, #tpu.memory_space<hbm>>) dst(%arg5 : memref<16x512xf32, #tpu.memory_space<vmem>>)
      tpu.yield
    }) : () -> ()
    %scan3A = arith.constant 0 : i32
    %scan3A_3 = arith.constant 0xFF800000 : f32
    %scan3A_4 = arith.constant 0 : i32
    %scan3A_5 = arith.constant 32 : i32
    %scan3A_6 = arith.addi %scan3A_4, %scan3A_5 : i32
    %scan3A_7 = arith.constant 1 : i32
    scf.for %scan3A_9 = %scan3A_4 to %scan3A_6 step %scan3A_7  : i32 {
      %mul3A_10 = arith.constant 16 : i32
      %mul3A_11 = arith.muli %scan3A_9, %mul3A_10 : i32
      %get3A = arith.constant 0 : i32
      %get3A_12 = arith.index_cast %get3A : i32 to index
      %get3A_13 = arith.index_cast %mul3A_11 : i32 to index
      %get3A_14 = tpu.vector_load %arg5[%get3A_12, %get3A_13] {strides = array<i32>} : memref<16x512xf32, #tpu.memory_space<vmem>>, vector<16xf32>,
      %get3A_15 = arith.constant 1 : i32
      %get3A_16 = arith.index_cast %get3A_15 : i32 to index
      %get3A_17 = arith.index_cast %mul3A_11 : i32 to index
      %get3A_18 = tpu.vector_load %arg5[%get3A_16, %get3A_17] {strides = array<i32>} : memref<16x512xf32, #tpu.memory_space<vmem>>, vector<16xf32>,
      %get3A_19 = arith.constant 2 : i32
      %get3A_20 = arith.index_cast %get3A_19 : i32 to index
      %get3A_21 = arith.index_cast %mul3A_11 : i32 to index
      %get3A_22 = tpu.vector_load %arg5[%get3A_20, %get3A_21] {strides = array<i32>} : memref<16x512xf32, #tpu.memory_space<vmem>>, vector<16xf32>,
      %get3A_23 = arith.constant 3 : i32
      %get3A_24 = arith.index_cast %get3A_23 : i32 to index
      %get3A_25 = arith.index_cast %mul3A_11 : i32 to index
      %get3A_26 = tpu.vector_load %arg5[%get3A_24, %get3A_25] {strides = array<i32>} : memref<16x512xf32, #tpu.memory_space<vmem>>, vector<16xf32>,
      %get3A_27 = arith.constant 4 : i32
      %get3A_28 = arith.index_cast %get3A_27 : i32 to index
      %get3A_29 = arith.index_cast %mul3A_11 : i32 to index
      %get3A_30 = tpu.vector_load %arg5[%get3A_28, %get3A_29] {strides = array<i32>} : memref<16x512xf32, #tpu.memory_space<vmem>>, vector<16xf32>,
      %get3A_31 = arith.constant 5 : i32
      %get3A_32 = arith.index_cast %get3A_31 : i32 to index
      %get3A_33 = arith.index_cast %mul3A_11 : i32 to index
      %get3A_34 = tpu.vector_load %arg5[%get3A_32, %get3A_33] {strides = array<i32>} : memref<16x512xf32, #tpu.memory_space<vmem>>, vector<16xf32>,
      %get3A_35 = arith.constant 6 : i32
      %get3A_36 = arith.index_cast %get3A_35 : i32 to index
      %get3A_37 = arith.index_cast %mul3A_11 : i32 to index
      %get3A_38 = tpu.vector_load %arg5[%get3A_36, %get3A_37] {strides = array<i32>} : memref<16x512xf32, #tpu.memory_space<vmem>>, vector<16xf32>,
      %get3A_39 = arith.constant 7 : i32
      %get3A_40 = arith.index_cast %get3A_39 : i32 to index
      %get3A_41 = arith.index_cast %mul3A_11 : i32 to index
      %get3A_42 = tpu.vector_load %arg5[%get3A_40, %get3A_41] {strides = array<i32>} : memref<16x512xf32, #tpu.memory_space<vmem>>, vector<16xf32>,
      %get3A_43 = arith.constant 8 : i32
      %get3A_44 = arith.index_cast %get3A_43 : i32 to index
      %get3A_45 = arith.index_cast %mul3A_11 : i32 to index
      %get3A_46 = tpu.vector_load %arg5[%get3A_44, %get3A_45] {strides = array<i32>} : memref<16x512xf32, #tpu.memory_space<vmem>>, vector<16xf32>,
      %get3A_47 = arith.constant 9 : i32
      %get3A_48 = arith.index_cast %get3A_47 : i32 to index
      %get3A_49 = arith.index_cast %mul3A_11 : i32 to index
      %get3A_50 = tpu.vector_load %arg5[%get3A_48, %get3A_49] {strides = array<i32>} : memref<16x512xf32, #tpu.memory_space<vmem>>, vector<16xf32>,
      %get3A_51 = arith.constant 10 : i32
      %get3A_52 = arith.index_cast %get3A_51 : i32 to index
      %get3A_53 = arith.index_cast %mul3A_11 : i32 to index
      %get3A_54 = tpu.vector_load %arg5[%get3A_52, %get3A_53] {strides = array<i32>} : memref<16x512xf32, #tpu.memory_space<vmem>>, vector<16xf32>,
      %get3A_55 = arith.constant 11 : i32
      %get3A_56 = arith.index_cast %get3A_55 : i32 to index
      %get3A_57 = arith.index_cast %mul3A_11 : i32 to index
      %get3A_58 = tpu.vector_load %arg5[%get3A_56, %get3A_57] {strides = array<i32>} : memref<16x512xf32, #tpu.memory_space<vmem>>, vector<16xf32>,
      %get3A_59 = arith.constant 12 : i32
      %get3A_60 = arith.index_cast %get3A_59 : i32 to index
      %get3A_61 = arith.index_cast %mul3A_11 : i32 to index
      %get3A_62 = tpu.vector_load %arg5[%get3A_60, %get3A_61] {strides = array<i32>} : memref<16x512xf32, #tpu.memory_space<vmem>>, vector<16xf32>,
      %get3A_63 = arith.constant 13 : i32
      %get3A_64 = arith.index_cast %get3A_63 : i32 to index
      %get3A_65 = arith.index_cast %mul3A_11 : i32 to index
      %get3A_66 = tpu.vector_load %arg5[%get3A_64, %get3A_65] {strides = array<i32>} : memref<16x512xf32, #tpu.memory_space<vmem>>, vector<16xf32>,
      %get3A_67 = arith.constant 14 : i32
      %get3A_68 = arith.index_cast %get3A_67 : i32 to index
      %get3A_69 = arith.index_cast %mul3A_11 : i32 to index
      %get3A_70 = tpu.vector_load %arg5[%get3A_68, %get3A_69] {strides = array<i32>} : memref<16x512xf32, #tpu.memory_space<vmem>>, vector<16xf32>,
      %get3A_71 = arith.constant 15 : i32
      %get3A_72 = arith.index_cast %get3A_71 : i32 to index
      %get3A_73 = arith.index_cast %mul3A_11 : i32 to index
      %get3A_74 = tpu.vector_load %arg5[%get3A_72, %get3A_73] {strides = array<i32>} : memref<16x512xf32, #tpu.memory_space<vmem>>, vector<16xf32>,
      %max3A = arith.maximumf %get3A_14, %get3A_18 : vector<16xf32>
      %max3A_75 = arith.maximumf %max3A, %get3A_22 : vector<16xf32>
      %max3A_76 = arith.maximumf %max3A_75, %get3A_26 : vector<16xf32>
      %max3A_77 = arith.maximumf %max3A_76, %get3A_30 : vector<16xf32>
      %max3A_78 = arith.maximumf %max3A_77, %get3A_34 : vector<16xf32>
      %max3A_79 = arith.maximumf %max3A_78, %get3A_38 : vector<16xf32>
      %max3A_80 = arith.maximumf %max3A_79, %get3A_42 : vector<16xf32>
      %max3A_81 = arith.maximumf %max3A_80, %get3A_46 : vector<16xf32>
      %max3A_82 = arith.maximumf %max3A_81, %get3A_50 : vector<16xf32>
      %max3A_83 = arith.maximumf %max3A_82, %get3A_54 : vector<16xf32>
      %max3A_84 = arith.maximumf %max3A_83, %get3A_58 : vector<16xf32>
      %max3A_85 = arith.maximumf %max3A_84, %get3A_62 : vector<16xf32>
      %max3A_86 = arith.maximumf %max3A_85, %get3A_66 : vector<16xf32>
      %max3A_87 = arith.maximumf %max3A_86, %get3A_70 : vector<16xf32>
      %max3A_88 = arith.maximumf %max3A_87, %get3A_74 : vector<16xf32>
      %broadcast_in_dim3A = arith.constant 0.000000e+00 : f32
      %broadcast_in_dim3A_89 = vector.broadcast %broadcast_in_dim3A : f32 to vector<16xf32>
      %eq3A = arith.cmpf oeq, %get3A_74, %max3A_88 : vector<16xf32>
      %jit3A = arith.constant 1.500000e+01 : f32
      %broadcast_in_dim3A_90 = vector.broadcast %jit3A : f32 to vector<16xf32>
      %select_n3A = arith.select %eq3A, %broadcast_in_dim3A_90, %broadcast_in_dim3A_89 : vector<16xi1>, vector<16xf32>
      %eq3A_91 = arith.cmpf oeq, %get3A_70, %max3A_88 : vector<16xf32>
      %jit3A_92 = arith.constant 1.400000e+01 : f32
      %broadcast_in_dim3A_93 = vector.broadcast %jit3A_92 : f32 to vector<16xf32>
      %select_n3A_94 = arith.select %eq3A_91, %broadcast_in_dim3A_93, %select_n3A : vector<16xi1>, vector<16xf32>
      %eq3A_95 = arith.cmpf oeq, %get3A_66, %max3A_88 : vector<16xf32>
      %jit3A_96 = arith.constant 1.300000e+01 : f32
      %broadcast_in_dim3A_97 = vector.broadcast %jit3A_96 : f32 to vector<16xf32>
      %select_n3A_98 = arith.select %eq3A_95, %broadcast_in_dim3A_97, %select_n3A_94 : vector<16xi1>, vector<16xf32>
      %eq3A_99 = arith.cmpf oeq, %get3A_62, %max3A_88 : vector<16xf32>
      %jit3A_100 = arith.constant 1.200000e+01 : f32
      %broadcast_in_dim3A_101 = vector.broadcast %jit3A_100 : f32 to vector<16xf32>
      %select_n3A_102 = arith.select %eq3A_99, %broadcast_in_dim3A_101, %select_n3A_98 : vector<16xi1>, vector<16xf32>
      %eq3A_103 = arith.cmpf oeq, %get3A_58, %max3A_88 : vector<16xf32>
      %jit3A_104 = arith.constant 1.100000e+01 : f32
      %broadcast_in_dim3A_105 = vector.broadcast %jit3A_104 : f32 to vector<16xf32>
      %select_n3A_106 = arith.select %eq3A_103, %broadcast_in_dim3A_105, %select_n3A_102 : vector<16xi1>, vector<16xf32>
      %eq3A_107 = arith.cmpf oeq, %get3A_54, %max3A_88 : vector<16xf32>
      %jit3A_108 = arith.constant 1.000000e+01 : f32
      %broadcast_in_dim3A_109 = vector.broadcast %jit3A_108 : f32 to vector<16xf32>
      %select_n3A_110 = arith.select %eq3A_107, %broadcast_in_dim3A_109, %select_n3A_106 : vector<16xi1>, vector<16xf32>
      %eq3A_111 = arith.cmpf oeq, %get3A_50, %max3A_88 : vector<16xf32>
      %jit3A_112 = arith.constant 9.000000e+00 : f32
      %broadcast_in_dim3A_113 = vector.broadcast %jit3A_112 : f32 to vector<16xf32>
      %select_n3A_114 = arith.select %eq3A_111, %broadcast_in_dim3A_113, %select_n3A_110 : vector<16xi1>, vector<16xf32>
      %eq3A_115 = arith.cmpf oeq, %get3A_46, %max3A_88 : vector<16xf32>
      %jit3A_116 = arith.constant 8.000000e+00 : f32
      %broadcast_in_dim3A_117 = vector.broadcast %jit3A_116 : f32 to vector<16xf32>
      %select_n3A_118 = arith.select %eq3A_115, %broadcast_in_dim3A_117, %select_n3A_114 : vector<16xi1>, vector<16xf32>
      %eq3A_119 = arith.cmpf oeq, %get3A_42, %max3A_88 : vector<16xf32>
      %jit3A_120 = arith.constant 7.000000e+00 : f32
      %broadcast_in_dim3A_121 = vector.broadcast %jit3A_120 : f32 to vector<16xf32>
      %select_n3A_122 = arith.select %eq3A_119, %broadcast_in_dim3A_121, %select_n3A_118 : vector<16xi1>, vector<16xf32>
      %eq3A_123 = arith.cmpf oeq, %get3A_38, %max3A_88 : vector<16xf32>
      %jit3A_124 = arith.constant 6.000000e+00 : f32
      %broadcast_in_dim3A_125 = vector.broadcast %jit3A_124 : f32 to vector<16xf32>
      %select_n3A_126 = arith.select %eq3A_123, %broadcast_in_dim3A_125, %select_n3A_122 : vector<16xi1>, vector<16xf32>
      %eq3A_127 = arith.cmpf oeq, %get3A_34, %max3A_88 : vector<16xf32>
      %jit3A_128 = arith.constant 5.000000e+00 : f32
      %broadcast_in_dim3A_129 = vector.broadcast %jit3A_128 : f32 to vector<16xf32>
      %select_n3A_130 = arith.select %eq3A_127, %broadcast_in_dim3A_129, %select_n3A_126 : vector<16xi1>, vector<16xf32>
      %eq3A_131 = arith.cmpf oeq, %get3A_30, %max3A_88 : vector<16xf32>
      %jit3A_132 = arith.constant 4.000000e+00 : f32
      %broadcast_in_dim3A_133 = vector.broadcast %jit3A_132 : f32 to vector<16xf32>
      %select_n3A_134 = arith.select %eq3A_131, %broadcast_in_dim3A_133, %select_n3A_130 : vector<16xi1>, vector<16xf32>
      %eq3A_135 = arith.cmpf oeq, %get3A_26, %max3A_88 : vector<16xf32>
      %jit3A_136 = arith.constant 3.000000e+00 : f32
      %broadcast_in_dim3A_137 = vector.broadcast %jit3A_136 : f32 to vector<16xf32>
      %select_n3A_138 = arith.select %eq3A_135, %broadcast_in_dim3A_137, %select_n3A_134 : vector<16xi1>, vector<16xf32>
      %eq3A_139 = arith.cmpf oeq, %get3A_22, %max3A_88 : vector<16xf32>
      %jit3A_140 = arith.constant 2.000000e+00 : f32
      %broadcast_in_dim3A_141 = vector.broadcast %jit3A_140 : f32 to vector<16xf32>
      %select_n3A_142 = arith.select %eq3A_139, %broadcast_in_dim3A_141, %select_n3A_138 : vector<16xi1>, vector<16xf32>
      %eq3A_143 = arith.cmpf oeq, %get3A_18, %max3A_88 : vector<16xf32>
      %jit3A_144 = arith.constant 1.000000e+00 : f32
      %broadcast_in_dim3A_145 = vector.broadcast %jit3A_144 : f32 to vector<16xf32>
      %select_n3A_146 = arith.select %eq3A_143, %broadcast_in_dim3A_145, %select_n3A_142 : vector<16xi1>, vector<16xf32>
      %eq3A_147 = arith.cmpf oeq, %get3A_14, %max3A_88 : vector<16xf32>
      %jit3A_148 = arith.constant 0.000000e+00 : f32
      %broadcast_in_dim3A_149 = vector.broadcast %jit3A_148 : f32 to vector<16xf32>
      %select_n3A_150 = arith.select %eq3A_147, %broadcast_in_dim3A_149, %select_n3A_146 : vector<16xi1>, vector<16xf32>
      %eq3A_151 = arith.constant 0.000000e+00 : f32
      %eq3A_152 = vector.broadcast %eq3A_151 : f32 to vector<16xf32>
      %eq3A_153 = arith.cmpf oeq, %select_n3A_150, %eq3A_152 : vector<16xf32>
      %broadcast_in_dim3A_154 = vector.broadcast %scan3A_3 : f32 to vector<16xf32>
      %select_n3A_155 = arith.select %eq3A_153, %broadcast_in_dim3A_154, %get3A_14 : vector<16xi1>, vector<16xf32>
      %eq3A_156 = arith.constant 1.000000e+00 : f32
      %eq3A_157 = vector.broadcast %eq3A_156 : f32 to vector<16xf32>
      %eq3A_158 = arith.cmpf oeq, %select_n3A_150, %eq3A_157 : vector<16xf32>
      %broadcast_in_dim3A_159 = vector.broadcast %scan3A_3 : f32 to vector<16xf32>
      %select_n3A_160 = arith.select %eq3A_158, %broadcast_in_dim3A_159, %get3A_18 : vector<16xi1>, vector<16xf32>
      %eq3A_161 = arith.constant 2.000000e+00 : f32
      %eq3A_162 = vector.broadcast %eq3A_161 : f32 to vector<16xf32>
      %eq3A_163 = arith.cmpf oeq, %select_n3A_150, %eq3A_162 : vector<16xf32>
      %broadcast_in_dim3A_164 = vector.broadcast %scan3A_3 : f32 to vector<16xf32>
      %select_n3A_165 = arith.select %eq3A_163, %broadcast_in_dim3A_164, %get3A_22 : vector<16xi1>, vector<16xf32>
      %eq3A_166 = arith.constant 3.000000e+00 : f32
      %eq3A_167 = vector.broadcast %eq3A_166 : f32 to vector<16xf32>
      %eq3A_168 = arith.cmpf oeq, %select_n3A_150, %eq3A_167 : vector<16xf32>
      %broadcast_in_dim3A_169 = vector.broadcast %scan3A_3 : f32 to vector<16xf32>
      %select_n3A_170 = arith.select %eq3A_168, %broadcast_in_dim3A_169, %get3A_26 : vector<16xi1>, vector<16xf32>
      %eq3A_171 = arith.constant 4.000000e+00 : f32
      %eq3A_172 = vector.broadcast %eq3A_171 : f32 to vector<16xf32>
      %eq3A_173 = arith.cmpf oeq, %select_n3A_150, %eq3A_172 : vector<16xf32>
      %broadcast_in_dim3A_174 = vector.broadcast %scan3A_3 : f32 to vector<16xf32>
      %select_n3A_175 = arith.select %eq3A_173, %broadcast_in_dim3A_174, %get3A_30 : vector<16xi1>, vector<16xf32>
      %eq3A_176 = arith.constant 5.000000e+00 : f32
      %eq3A_177 = vector.broadcast %eq3A_176 : f32 to vector<16xf32>
      %eq3A_178 = arith.cmpf oeq, %select_n3A_150, %eq3A_177 : vector<16xf32>
      %broadcast_in_dim3A_179 = vector.broadcast %scan3A_3 : f32 to vector<16xf32>
      %select_n3A_180 = arith.select %eq3A_178, %broadcast_in_dim3A_179, %get3A_34 : vector<16xi1>, vector<16xf32>
      %eq3A_181 = arith.constant 6.000000e+00 : f32
      %eq3A_182 = vector.broadcast %eq3A_181 : f32 to vector<16xf32>
      %eq3A_183 = arith.cmpf oeq, %select_n3A_150, %eq3A_182 : vector<16xf32>
      %broadcast_in_dim3A_184 = vector.broadcast %scan3A_3 : f32 to vector<16xf32>
      %select_n3A_185 = arith.select %eq3A_183, %broadcast_in_dim3A_184, %get3A_38 : vector<16xi1>, vector<16xf32>
      %eq3A_186 = arith.constant 7.000000e+00 : f32
      %eq3A_187 = vector.broadcast %eq3A_186 : f32 to vector<16xf32>
      %eq3A_188 = arith.cmpf oeq, %select_n3A_150, %eq3A_187 : vector<16xf32>
      %broadcast_in_dim3A_189 = vector.broadcast %scan3A_3 : f32 to vector<16xf32>
      %select_n3A_190 = arith.select %eq3A_188, %broadcast_in_dim3A_189, %get3A_42 : vector<16xi1>, vector<16xf32>
      %eq3A_191 = arith.constant 8.000000e+00 : f32
      %eq3A_192 = vector.broadcast %eq3A_191 : f32 to vector<16xf32>
      %eq3A_193 = arith.cmpf oeq, %select_n3A_150, %eq3A_192 : vector<16xf32>
      %broadcast_in_dim3A_194 = vector.broadcast %scan3A_3 : f32 to vector<16xf32>
      %select_n3A_195 = arith.select %eq3A_193, %broadcast_in_dim3A_194, %get3A_46 : vector<16xi1>, vector<16xf32>
      %eq3A_196 = arith.constant 9.000000e+00 : f32
      %eq3A_197 = vector.broadcast %eq3A_196 : f32 to vector<16xf32>
      %eq3A_198 = arith.cmpf oeq, %select_n3A_150, %eq3A_197 : vector<16xf32>
      %broadcast_in_dim3A_199 = vector.broadcast %scan3A_3 : f32 to vector<16xf32>
      %select_n3A_200 = arith.select %eq3A_198, %broadcast_in_dim3A_199, %get3A_50 : vector<16xi1>, vector<16xf32>
      %eq3A_201 = arith.constant 1.000000e+01 : f32
      %eq3A_202 = vector.broadcast %eq3A_201 : f32 to vector<16xf32>
      %eq3A_203 = arith.cmpf oeq, %select_n3A_150, %eq3A_202 : vector<16xf32>
      %broadcast_in_dim3A_204 = vector.broadcast %scan3A_3 : f32 to vector<16xf32>
      %select_n3A_205 = arith.select %eq3A_203, %broadcast_in_dim3A_204, %get3A_54 : vector<16xi1>, vector<16xf32>
      %eq3A_206 = arith.constant 1.100000e+01 : f32
      %eq3A_207 = vector.broadcast %eq3A_206 : f32 to vector<16xf32>
      %eq3A_208 = arith.cmpf oeq, %select_n3A_150, %eq3A_207 : vector<16xf32>
      %broadcast_in_dim3A_209 = vector.broadcast %scan3A_3 : f32 to vector<16xf32>
      %select_n3A_210 = arith.select %eq3A_208, %broadcast_in_dim3A_209, %get3A_58 : vector<16xi1>, vector<16xf32>
      %eq3A_211 = arith.constant 1.200000e+01 : f32
      %eq3A_212 = vector.broadcast %eq3A_211 : f32 to vector<16xf32>
      %eq3A_213 = arith.cmpf oeq, %select_n3A_150, %eq3A_212 : vector<16xf32>
      %broadcast_in_dim3A_214 = vector.broadcast %scan3A_3 : f32 to vector<16xf32>
      %select_n3A_215 = arith.select %eq3A_213, %broadcast_in_dim3A_214, %get3A_62 : vector<16xi1>, vector<16xf32>
      %eq3A_216 = arith.constant 1.300000e+01 : f32
      %eq3A_217 = vector.broadcast %eq3A_216 : f32 to vector<16xf32>
      %eq3A_218 = arith.cmpf oeq, %select_n3A_150, %eq3A_217 : vector<16xf32>
      %broadcast_in_dim3A_219 = vector.broadcast %scan3A_3 : f32 to vector<16xf32>
      %select_n3A_220 = arith.select %eq3A_218, %broadcast_in_dim3A_219, %get3A_66 : vector<16xi1>, vector<16xf32>
      %eq3A_221 = arith.constant 1.400000e+01 : f32
      %eq3A_222 = vector.broadcast %eq3A_221 : f32 to vector<16xf32>
      %eq3A_223 = arith.cmpf oeq, %select_n3A_150, %eq3A_222 : vector<16xf32>
      %broadcast_in_dim3A_224 = vector.broadcast %scan3A_3 : f32 to vector<16xf32>
      %select_n3A_225 = arith.select %eq3A_223, %broadcast_in_dim3A_224, %get3A_70 : vector<16xi1>, vector<16xf32>
      %eq3A_226 = arith.constant 1.500000e+01 : f32
      %eq3A_227 = vector.broadcast %eq3A_226 : f32 to vector<16xf32>
      %eq3A_228 = arith.cmpf oeq, %select_n3A_150, %eq3A_227 : vector<16xf32>
      %broadcast_in_dim3A_229 = vector.broadcast %scan3A_3 : f32 to vector<16xf32>
      %select_n3A_230 = arith.select %eq3A_228, %broadcast_in_dim3A_229, %get3A_74 : vector<16xi1>, vector<16xf32>
      %max3A_231 = arith.maximumf %select_n3A_155, %select_n3A_160 : vector<16xf32>
      %max3A_232 = arith.maximumf %max3A_231, %select_n3A_165 : vector<16xf32>
      %max3A_233 = arith.maximumf %max3A_232, %select_n3A_170 : vector<16xf32>
      %max3A_234 = arith.maximumf %max3A_233, %select_n3A_175 : vector<16xf32>
      %max3A_235 = arith.maximumf %max3A_234, %select_n3A_180 : vector<16xf32>
      %max3A_236 = arith.maximumf %max3A_235, %select_n3A_185 : vector<16xf32>
      %max3A_237 = arith.maximumf %max3A_236, %select_n3A_190 : vector<16xf32>
      %max3A_238 = arith.maximumf %max3A_237, %select_n3A_195 : vector<16xf32>
      %max3A_239 = arith.maximumf %max3A_238, %select_n3A_200 : vector<16xf32>
      %max3A_240 = arith.maximumf %max3A_239, %select_n3A_205 : vector<16xf32>
      %max3A_241 = arith.maximumf %max3A_240, %select_n3A_210 : vector<16xf32>
      %max3A_242 = arith.maximumf %max3A_241, %select_n3A_215 : vector<16xf32>
      %max3A_243 = arith.maximumf %max3A_242, %select_n3A_220 : vector<16xf32>
      %max3A_244 = arith.maximumf %max3A_243, %select_n3A_225 : vector<16xf32>
      %max3A_245 = arith.maximumf %max3A_244, %select_n3A_230 : vector<16xf32>
      %broadcast_in_dim3A_246 = arith.constant 0.000000e+00 : f32
      %broadcast_in_dim3A_247 = vector.broadcast %broadcast_in_dim3A_246 : f32 to vector<16xf32>
      %eq3A_248 = arith.cmpf oeq, %select_n3A_230, %max3A_245 : vector<16xf32>
      %jit3A_249 = arith.constant 1.500000e+01 : f32
      %broadcast_in_dim3A_250 = vector.broadcast %jit3A_249 : f32 to vector<16xf32>
      %select_n3A_251 = arith.select %eq3A_248, %broadcast_in_dim3A_250, %broadcast_in_dim3A_247 : vector<16xi1>, vector<16xf32>
      %eq3A_252 = arith.cmpf oeq, %select_n3A_225, %max3A_245 : vector<16xf32>
      %jit3A_253 = arith.constant 1.400000e+01 : f32
      %broadcast_in_dim3A_254 = vector.broadcast %jit3A_253 : f32 to vector<16xf32>
      %select_n3A_255 = arith.select %eq3A_252, %broadcast_in_dim3A_254, %select_n3A_251 : vector<16xi1>, vector<16xf32>
      %eq3A_256 = arith.cmpf oeq, %select_n3A_220, %max3A_245 : vector<16xf32>
      %jit3A_257 = arith.constant 1.300000e+01 : f32
      %broadcast_in_dim3A_258 = vector.broadcast %jit3A_257 : f32 to vector<16xf32>
      %select_n3A_259 = arith.select %eq3A_256, %broadcast_in_dim3A_258, %select_n3A_255 : vector<16xi1>, vector<16xf32>
      %eq3A_260 = arith.cmpf oeq, %select_n3A_215, %max3A_245 : vector<16xf32>
      %jit3A_261 = arith.constant 1.200000e+01 : f32
      %broadcast_in_dim3A_262 = vector.broadcast %jit3A_261 : f32 to vector<16xf32>
      %select_n3A_263 = arith.select %eq3A_260, %broadcast_in_dim3A_262, %select_n3A_259 : vector<16xi1>, vector<16xf32>
      %eq3A_264 = arith.cmpf oeq, %select_n3A_210, %max3A_245 : vector<16xf32>
      %jit3A_265 = arith.constant 1.100000e+01 : f32
      %broadcast_in_dim3A_266 = vector.broadcast %jit3A_265 : f32 to vector<16xf32>
      %select_n3A_267 = arith.select %eq3A_264, %broadcast_in_dim3A_266, %select_n3A_263 : vector<16xi1>, vector<16xf32>
      %eq3A_268 = arith.cmpf oeq, %select_n3A_205, %max3A_245 : vector<16xf32>
      %jit3A_269 = arith.constant 1.000000e+01 : f32
      %broadcast_in_dim3A_270 = vector.broadcast %jit3A_269 : f32 to vector<16xf32>
      %select_n3A_271 = arith.select %eq3A_268, %broadcast_in_dim3A_270, %select_n3A_267 : vector<16xi1>, vector<16xf32>
      %eq3A_272 = arith.cmpf oeq, %select_n3A_200, %max3A_245 : vector<16xf32>
      %jit3A_273 = arith.constant 9.000000e+00 : f32
      %broadcast_in_dim3A_274 = vector.broadcast %jit3A_273 : f32 to vector<16xf32>
      %select_n3A_275 = arith.select %eq3A_272, %broadcast_in_dim3A_274, %select_n3A_271 : vector<16xi1>, vector<16xf32>
      %eq3A_276 = arith.cmpf oeq, %select_n3A_195, %max3A_245 : vector<16xf32>
      %jit3A_277 = arith.constant 8.000000e+00 : f32
      %broadcast_in_dim3A_278 = vector.broadcast %jit3A_277 : f32 to vector<16xf32>
      %select_n3A_279 = arith.select %eq3A_276, %broadcast_in_dim3A_278, %select_n3A_275 : vector<16xi1>, vector<16xf32>
      %eq3A_280 = arith.cmpf oeq, %select_n3A_190, %max3A_245 : vector<16xf32>
      %jit3A_281 = arith.constant 7.000000e+00 : f32
      %broadcast_in_dim3A_282 = vector.broadcast %jit3A_281 : f32 to vector<16xf32>
      %select_n3A_283 = arith.select %eq3A_280, %broadcast_in_dim3A_282, %select_n3A_279 : vector<16xi1>, vector<16xf32>
      %eq3A_284 = arith.cmpf oeq, %select_n3A_185, %max3A_245 : vector<16xf32>
      %jit3A_285 = arith.constant 6.000000e+00 : f32
      %broadcast_in_dim3A_286 = vector.broadcast %jit3A_285 : f32 to vector<16xf32>
      %select_n3A_287 = arith.select %eq3A_284, %broadcast_in_dim3A_286, %select_n3A_283 : vector<16xi1>, vector<16xf32>
      %eq3A_288 = arith.cmpf oeq, %select_n3A_180, %max3A_245 : vector<16xf32>
      %jit3A_289 = arith.constant 5.000000e+00 : f32
      %broadcast_in_dim3A_290 = vector.broadcast %jit3A_289 : f32 to vector<16xf32>
      %select_n3A_291 = arith.select %eq3A_288, %broadcast_in_dim3A_290, %select_n3A_287 : vector<16xi1>, vector<16xf32>
      %eq3A_292 = arith.cmpf oeq, %select_n3A_175, %max3A_245 : vector<16xf32>
      %jit3A_293 = arith.constant 4.000000e+00 : f32
      %broadcast_in_dim3A_294 = vector.broadcast %jit3A_293 : f32 to vector<16xf32>
      %select_n3A_295 = arith.select %eq3A_292, %broadcast_in_dim3A_294, %select_n3A_291 : vector<16xi1>, vector<16xf32>
      %eq3A_296 = arith.cmpf oeq, %select_n3A_170, %max3A_245 : vector<16xf32>
      %jit3A_297 = arith.constant 3.000000e+00 : f32
      %broadcast_in_dim3A_298 = vector.broadcast %jit3A_297 : f32 to vector<16xf32>
      %select_n3A_299 = arith.select %eq3A_296, %broadcast_in_dim3A_298, %select_n3A_295 : vector<16xi1>, vector<16xf32>
      %eq3A_300 = arith.cmpf oeq, %select_n3A_165, %max3A_245 : vector<16xf32>
      %jit3A_301 = arith.constant 2.000000e+00 : f32
      %broadcast_in_dim3A_302 = vector.broadcast %jit3A_301 : f32 to vector<16xf32>
      %select_n3A_303 = arith.select %eq3A_300, %broadcast_in_dim3A_302, %select_n3A_299 : vector<16xi1>, vector<16xf32>
      %eq3A_304 = arith.cmpf oeq, %select_n3A_160, %max3A_245 : vector<16xf32>
      %jit3A_305 = arith.constant 1.000000e+00 : f32
      %broadcast_in_dim3A_306 = vector.broadcast %jit3A_305 : f32 to vector<16xf32>
      %select_n3A_307 = arith.select %eq3A_304, %broadcast_in_dim3A_306, %select_n3A_303 : vector<16xi1>, vector<16xf32>
      %eq3A_308 = arith.cmpf oeq, %select_n3A_155, %max3A_245 : vector<16xf32>
      %jit3A_309 = arith.constant 0.000000e+00 : f32
      %broadcast_in_dim3A_310 = vector.broadcast %jit3A_309 : f32 to vector<16xf32>
      %select_n3A_311 = arith.select %eq3A_308, %broadcast_in_dim3A_310, %select_n3A_307 : vector<16xi1>, vector<16xf32>
      %sub3A = arith.subf %max3A_245, %max3A_88 : vector<16xf32>
      %exp3A = math.exp %sub3A : vector<16xf32>
      %add3A_312 = arith.constant 1.000000e+00 : f32
      %add3A_313 = vector.broadcast %add3A_312 : f32 to vector<16xf32>
      %add3A_314 = arith.addf %add3A_313, %exp3A : vector<16xf32>
      %div3A = arith.constant 1.000000e+00 : f32
      %div3A_315 = vector.broadcast %div3A : f32 to vector<16xf32>
      %div3A_316 = arith.divf %div3A_315, %add3A_314 : vector<16xf32>
      %add3A_317 = arith.constant 1.000000e+00 : f32
      %add3A_318 = vector.broadcast %add3A_317 : f32 to vector<16xf32>
      %add3A_319 = arith.addf %add3A_318, %exp3A : vector<16xf32>
      %div3A_320 = arith.divf %exp3A, %add3A_319 : vector<16xf32>
      %eq3A_321 = arith.constant 0.000000e+00 : f32
      %eq3A_322 = vector.broadcast %eq3A_321 : f32 to vector<16xf32>
      %eq3A_323 = arith.cmpf oeq, %select_n3A_150, %eq3A_322 : vector<16xf32>
      %convert_element_type3A = arith.extui %eq3A_323 : vector<16xi1> to vector<16xi32>
      %convert_element_type3A_324 = arith.sitofp %convert_element_type3A : vector<16xi32> to vector<16xf32>
      %mul3A_325 = arith.mulf %div3A_316, %convert_element_type3A_324 : vector<16xf32>
      %eq3A_326 = arith.constant 0.000000e+00 : f32
      %eq3A_327 = vector.broadcast %eq3A_326 : f32 to vector<16xf32>
      %eq3A_328 = arith.cmpf oeq, %select_n3A_311, %eq3A_327 : vector<16xf32>
      %convert_element_type3A_329 = arith.extui %eq3A_328 : vector<16xi1> to vector<16xi32>
      %convert_element_type3A_330 = arith.sitofp %convert_element_type3A_329 : vector<16xi32> to vector<16xf32>
      %mul3A_331 = arith.mulf %div3A_320, %convert_element_type3A_330 : vector<16xf32>
      %add3A_332 = arith.addf %mul3A_325, %mul3A_331 : vector<16xf32>
      %swap3A = arith.constant 0 : i32
      %swap3A_333 = arith.index_cast %swap3A : i32 to index
      %swap3A_334 = arith.index_cast %mul3A_11 : i32 to index
      %swap3A_335 = tpu.vector_load %arg6[%swap3A_333, %swap3A_334] {strides = array<i32>} : memref<16x512xf32, #tpu.memory_space<vmem>>, vector<16xf32>,
      tpu.vector_store %arg6[%swap3A_333, %swap3A_334], %add3A_332 {strides = array<i32>} : memref<16x512xf32, #tpu.memory_space<vmem>>, vector<16xf32>,
      %eq3A_336 = arith.constant 1.000000e+00 : f32
      %eq3A_337 = vector.broadcast %eq3A_336 : f32 to vector<16xf32>
      %eq3A_338 = arith.cmpf oeq, %select_n3A_150, %eq3A_337 : vector<16xf32>
      %convert_element_type3A_339 = arith.extui %eq3A_338 : vector<16xi1> to vector<16xi32>
      %convert_element_type3A_340 = arith.sitofp %convert_element_type3A_339 : vector<16xi32> to vector<16xf32>
      %mul3A_341 = arith.mulf %div3A_316, %convert_element_type3A_340 : vector<16xf32>
      %eq3A_342 = arith.constant 1.000000e+00 : f32
      %eq3A_343 = vector.broadcast %eq3A_342 : f32 to vector<16xf32>
      %eq3A_344 = arith.cmpf oeq, %select_n3A_311, %eq3A_343 : vector<16xf32>
      %convert_element_type3A_345 = arith.extui %eq3A_344 : vector<16xi1> to vector<16xi32>
      %convert_element_type3A_346 = arith.sitofp %convert_element_type3A_345 : vector<16xi32> to vector<16xf32>
      %mul3A_347 = arith.mulf %div3A_320, %convert_element_type3A_346 : vector<16xf32>
      %add3A_348 = arith.addf %mul3A_341, %mul3A_347 : vector<16xf32>
      %swap3A_349 = arith.constant 1 : i32
      %swap3A_350 = arith.index_cast %swap3A_349 : i32 to index
      %swap3A_351 = arith.index_cast %mul3A_11 : i32 to index
      %swap3A_352 = tpu.vector_load %arg6[%swap3A_350, %swap3A_351] {strides = array<i32>} : memref<16x512xf32, #tpu.memory_space<vmem>>, vector<16xf32>,
      tpu.vector_store %arg6[%swap3A_350, %swap3A_351], %add3A_348 {strides = array<i32>} : memref<16x512xf32, #tpu.memory_space<vmem>>, vector<16xf32>,
      %eq3A_353 = arith.constant 2.000000e+00 : f32
      %eq3A_354 = vector.broadcast %eq3A_353 : f32 to vector<16xf32>
      %eq3A_355 = arith.cmpf oeq, %select_n3A_150, %eq3A_354 : vector<16xf32>
      %convert_element_type3A_356 = arith.extui %eq3A_355 : vector<16xi1> to vector<16xi32>
      %convert_element_type3A_357 = arith.sitofp %convert_element_type3A_356 : vector<16xi32> to vector<16xf32>
      %mul3A_358 = arith.mulf %div3A_316, %convert_element_type3A_357 : vector<16xf32>
      %eq3A_359 = arith.constant 2.000000e+00 : f32
      %eq3A_360 = vector.broadcast %eq3A_359 : f32 to vector<16xf32>
      %eq3A_361 = arith.cmpf oeq, %select_n3A_311, %eq3A_360 : vector<16xf32>
      %convert_element_type3A_362 = arith.extui %eq3A_361 : vector<16xi1> to vector<16xi32>
      %convert_element_type3A_363 = arith.sitofp %convert_element_type3A_362 : vector<16xi32> to vector<16xf32>
      %mul3A_364 = arith.mulf %div3A_320, %convert_element_type3A_363 : vector<16xf32>
      %add3A_365 = arith.addf %mul3A_358, %mul3A_364 : vector<16xf32>
      %swap3A_366 = arith.constant 2 : i32
      %swap3A_367 = arith.index_cast %swap3A_366 : i32 to index
      %swap3A_368 = arith.index_cast %mul3A_11 : i32 to index
      %swap3A_369 = tpu.vector_load %arg6[%swap3A_367, %swap3A_368] {strides = array<i32>} : memref<16x512xf32, #tpu.memory_space<vmem>>, vector<16xf32>,
      tpu.vector_store %arg6[%swap3A_367, %swap3A_368], %add3A_365 {strides = array<i32>} : memref<16x512xf32, #tpu.memory_space<vmem>>, vector<16xf32>,
      %eq3A_370 = arith.constant 3.000000e+00 : f32
      %eq3A_371 = vector.broadcast %eq3A_370 : f32 to vector<16xf32>
      %eq3A_372 = arith.cmpf oeq, %select_n3A_150, %eq3A_371 : vector<16xf32>
      %convert_element_type3A_373 = arith.extui %eq3A_372 : vector<16xi1> to vector<16xi32>
      %convert_element_type3A_374 = arith.sitofp %convert_element_type3A_373 : vector<16xi32> to vector<16xf32>
      %mul3A_375 = arith.mulf %div3A_316, %convert_element_type3A_374 : vector<16xf32>
      %eq3A_376 = arith.constant 3.000000e+00 : f32
      %eq3A_377 = vector.broadcast %eq3A_376 : f32 to vector<16xf32>
      %eq3A_378 = arith.cmpf oeq, %select_n3A_311, %eq3A_377 : vector<16xf32>
      %convert_element_type3A_379 = arith.extui %eq3A_378 : vector<16xi1> to vector<16xi32>
      %convert_element_type3A_380 = arith.sitofp %convert_element_type3A_379 : vector<16xi32> to vector<16xf32>
      %mul3A_381 = arith.mulf %div3A_320, %convert_element_type3A_380 : vector<16xf32>
      %add3A_382 = arith.addf %mul3A_375, %mul3A_381 : vector<16xf32>
      %swap3A_383 = arith.constant 3 : i32
      %swap3A_384 = arith.index_cast %swap3A_383 : i32 to index
      %swap3A_385 = arith.index_cast %mul3A_11 : i32 to index
      %swap3A_386 = tpu.vector_load %arg6[%swap3A_384, %swap3A_385] {strides = array<i32>} : memref<16x512xf32, #tpu.memory_space<vmem>>, vector<16xf32>,
      tpu.vector_store %arg6[%swap3A_384, %swap3A_385], %add3A_382 {strides = array<i32>} : memref<16x512xf32, #tpu.memory_space<vmem>>, vector<16xf32>,
      %eq3A_387 = arith.constant 4.000000e+00 : f32
      %eq3A_388 = vector.broadcast %eq3A_387 : f32 to vector<16xf32>
      %eq3A_389 = arith.cmpf oeq, %select_n3A_150, %eq3A_388 : vector<16xf32>
      %convert_element_type3A_390 = arith.extui %eq3A_389 : vector<16xi1> to vector<16xi32>
      %convert_element_type3A_391 = arith.sitofp %convert_element_type3A_390 : vector<16xi32> to vector<16xf32>
      %mul3A_392 = arith.mulf %div3A_316, %convert_element_type3A_391 : vector<16xf32>
      %eq3A_393 = arith.constant 4.000000e+00 : f32
      %eq3A_394 = vector.broadcast %eq3A_393 : f32 to vector<16xf32>
      %eq3A_395 = arith.cmpf oeq, %select_n3A_311, %eq3A_394 : vector<16xf32>
      %convert_element_type3A_396 = arith.extui %eq3A_395 : vector<16xi1> to vector<16xi32>
      %convert_element_type3A_397 = arith.sitofp %convert_element_type3A_396 : vector<16xi32> to vector<16xf32>
      %mul3A_398 = arith.mulf %div3A_320, %convert_element_type3A_397 : vector<16xf32>
      %add3A_399 = arith.addf %mul3A_392, %mul3A_398 : vector<16xf32>
      %swap3A_400 = arith.constant 4 : i32
      %swap3A_401 = arith.index_cast %swap3A_400 : i32 to index
      %swap3A_402 = arith.index_cast %mul3A_11 : i32 to index
      %swap3A_403 = tpu.vector_load %arg6[%swap3A_401, %swap3A_402] {strides = array<i32>} : memref<16x512xf32, #tpu.memory_space<vmem>>, vector<16xf32>,
      tpu.vector_store %arg6[%swap3A_401, %swap3A_402], %add3A_399 {strides = array<i32>} : memref<16x512xf32, #tpu.memory_space<vmem>>, vector<16xf32>,
      %eq3A_404 = arith.constant 5.000000e+00 : f32
      %eq3A_405 = vector.broadcast %eq3A_404 : f32 to vector<16xf32>
      %eq3A_406 = arith.cmpf oeq, %select_n3A_150, %eq3A_405 : vector<16xf32>
      %convert_element_type3A_407 = arith.extui %eq3A_406 : vector<16xi1> to vector<16xi32>
      %convert_element_type3A_408 = arith.sitofp %convert_element_type3A_407 : vector<16xi32> to vector<16xf32>
      %mul3A_409 = arith.mulf %div3A_316, %convert_element_type3A_408 : vector<16xf32>
      %eq3A_410 = arith.constant 5.000000e+00 : f32
      %eq3A_411 = vector.broadcast %eq3A_410 : f32 to vector<16xf32>
      %eq3A_412 = arith.cmpf oeq, %select_n3A_311, %eq3A_411 : vector<16xf32>
      %convert_element_type3A_413 = arith.extui %eq3A_412 : vector<16xi1> to vector<16xi32>
      %convert_element_type3A_414 = arith.sitofp %convert_element_type3A_413 : vector<16xi32> to vector<16xf32>
      %mul3A_415 = arith.mulf %div3A_320, %convert_element_type3A_414 : vector<16xf32>
      %add3A_416 = arith.addf %mul3A_409, %mul3A_415 : vector<16xf32>
      %swap3A_417 = arith.constant 5 : i32
      %swap3A_418 = arith.index_cast %swap3A_417 : i32 to index
      %swap3A_419 = arith.index_cast %mul3A_11 : i32 to index
      %swap3A_420 = tpu.vector_load %arg6[%swap3A_418, %swap3A_419] {strides = array<i32>} : memref<16x512xf32, #tpu.memory_space<vmem>>, vector<16xf32>,
      tpu.vector_store %arg6[%swap3A_418, %swap3A_419], %add3A_416 {strides = array<i32>} : memref<16x512xf32, #tpu.memory_space<vmem>>, vector<16xf32>,
      %eq3A_421 = arith.constant 6.000000e+00 : f32
      %eq3A_422 = vector.broadcast %eq3A_421 : f32 to vector<16xf32>
      %eq3A_423 = arith.cmpf oeq, %select_n3A_150, %eq3A_422 : vector<16xf32>
      %convert_element_type3A_424 = arith.extui %eq3A_423 : vector<16xi1> to vector<16xi32>
      %convert_element_type3A_425 = arith.sitofp %convert_element_type3A_424 : vector<16xi32> to vector<16xf32>
      %mul3A_426 = arith.mulf %div3A_316, %convert_element_type3A_425 : vector<16xf32>
      %eq3A_427 = arith.constant 6.000000e+00 : f32
      %eq3A_428 = vector.broadcast %eq3A_427 : f32 to vector<16xf32>
      %eq3A_429 = arith.cmpf oeq, %select_n3A_311, %eq3A_428 : vector<16xf32>
      %convert_element_type3A_430 = arith.extui %eq3A_429 : vector<16xi1> to vector<16xi32>
      %convert_element_type3A_431 = arith.sitofp %convert_element_type3A_430 : vector<16xi32> to vector<16xf32>
      %mul3A_432 = arith.mulf %div3A_320, %convert_element_type3A_431 : vector<16xf32>
      %add3A_433 = arith.addf %mul3A_426, %mul3A_432 : vector<16xf32>
      %swap3A_434 = arith.constant 6 : i32
      %swap3A_435 = arith.index_cast %swap3A_434 : i32 to index
      %swap3A_436 = arith.index_cast %mul3A_11 : i32 to index
      %swap3A_437 = tpu.vector_load %arg6[%swap3A_435, %swap3A_436] {strides = array<i32>} : memref<16x512xf32, #tpu.memory_space<vmem>>, vector<16xf32>,
      tpu.vector_store %arg6[%swap3A_435, %swap3A_436], %add3A_433 {strides = array<i32>} : memref<16x512xf32, #tpu.memory_space<vmem>>, vector<16xf32>,
      %eq3A_438 = arith.constant 7.000000e+00 : f32
      %eq3A_439 = vector.broadcast %eq3A_438 : f32 to vector<16xf32>
      %eq3A_440 = arith.cmpf oeq, %select_n3A_150, %eq3A_439 : vector<16xf32>
      %convert_element_type3A_441 = arith.extui %eq3A_440 : vector<16xi1> to vector<16xi32>
      %convert_element_type3A_442 = arith.sitofp %convert_element_type3A_441 : vector<16xi32> to vector<16xf32>
      %mul3A_443 = arith.mulf %div3A_316, %convert_element_type3A_442 : vector<16xf32>
      %eq3A_444 = arith.constant 7.000000e+00 : f32
      %eq3A_445 = vector.broadcast %eq3A_444 : f32 to vector<16xf32>
      %eq3A_446 = arith.cmpf oeq, %select_n3A_311, %eq3A_445 : vector<16xf32>
      %convert_element_type3A_447 = arith.extui %eq3A_446 : vector<16xi1> to vector<16xi32>
      %convert_element_type3A_448 = arith.sitofp %convert_element_type3A_447 : vector<16xi32> to vector<16xf32>
      %mul3A_449 = arith.mulf %div3A_320, %convert_element_type3A_448 : vector<16xf32>
      %add3A_450 = arith.addf %mul3A_443, %mul3A_449 : vector<16xf32>
      %swap3A_451 = arith.constant 7 : i32
      %swap3A_452 = arith.index_cast %swap3A_451 : i32 to index
      %swap3A_453 = arith.index_cast %mul3A_11 : i32 to index
      %swap3A_454 = tpu.vector_load %arg6[%swap3A_452, %swap3A_453] {strides = array<i32>} : memref<16x512xf32, #tpu.memory_space<vmem>>, vector<16xf32>,
      tpu.vector_store %arg6[%swap3A_452, %swap3A_453], %add3A_450 {strides = array<i32>} : memref<16x512xf32, #tpu.memory_space<vmem>>, vector<16xf32>,
      %eq3A_455 = arith.constant 8.000000e+00 : f32
      %eq3A_456 = vector.broadcast %eq3A_455 : f32 to vector<16xf32>
      %eq3A_457 = arith.cmpf oeq, %select_n3A_150, %eq3A_456 : vector<16xf32>
      %convert_element_type3A_458 = arith.extui %eq3A_457 : vector<16xi1> to vector<16xi32>
      %convert_element_type3A_459 = arith.sitofp %convert_element_type3A_458 : vector<16xi32> to vector<16xf32>
      %mul3A_460 = arith.mulf %div3A_316, %convert_element_type3A_459 : vector<16xf32>
      %eq3A_461 = arith.constant 8.000000e+00 : f32
      %eq3A_462 = vector.broadcast %eq3A_461 : f32 to vector<16xf32>
      %eq3A_463 = arith.cmpf oeq, %select_n3A_311, %eq3A_462 : vector<16xf32>
      %convert_element_type3A_464 = arith.extui %eq3A_463 : vector<16xi1> to vector<16xi32>
      %convert_element_type3A_465 = arith.sitofp %convert_element_type3A_464 : vector<16xi32> to vector<16xf32>
      %mul3A_466 = arith.mulf %div3A_320, %convert_element_type3A_465 : vector<16xf32>
      %add3A_467 = arith.addf %mul3A_460, %mul3A_466 : vector<16xf32>
      %swap3A_468 = arith.constant 8 : i32
      %swap3A_469 = arith.index_cast %swap3A_468 : i32 to index
      %swap3A_470 = arith.index_cast %mul3A_11 : i32 to index
      %swap3A_471 = tpu.vector_load %arg6[%swap3A_469, %swap3A_470] {strides = array<i32>} : memref<16x512xf32, #tpu.memory_space<vmem>>, vector<16xf32>,
      tpu.vector_store %arg6[%swap3A_469, %swap3A_470], %add3A_467 {strides = array<i32>} : memref<16x512xf32, #tpu.memory_space<vmem>>, vector<16xf32>,
      %eq3A_472 = arith.constant 9.000000e+00 : f32
      %eq3A_473 = vector.broadcast %eq3A_472 : f32 to vector<16xf32>
      %eq3A_474 = arith.cmpf oeq, %select_n3A_150, %eq3A_473 : vector<16xf32>
      %convert_element_type3A_475 = arith.extui %eq3A_474 : vector<16xi1> to vector<16xi32>
      %convert_element_type3A_476 = arith.sitofp %convert_element_type3A_475 : vector<16xi32> to vector<16xf32>
      %mul3A_477 = arith.mulf %div3A_316, %convert_element_type3A_476 : vector<16xf32>
      %eq3A_478 = arith.constant 9.000000e+00 : f32
      %eq3A_479 = vector.broadcast %eq3A_478 : f32 to vector<16xf32>
      %eq3A_480 = arith.cmpf oeq, %select_n3A_311, %eq3A_479 : vector<16xf32>
      %convert_element_type3A_481 = arith.extui %eq3A_480 : vector<16xi1> to vector<16xi32>
      %convert_element_type3A_482 = arith.sitofp %convert_element_type3A_481 : vector<16xi32> to vector<16xf32>
      %mul3A_483 = arith.mulf %div3A_320, %convert_element_type3A_482 : vector<16xf32>
      %add3A_484 = arith.addf %mul3A_477, %mul3A_483 : vector<16xf32>
      %swap3A_485 = arith.constant 9 : i32
      %swap3A_486 = arith.index_cast %swap3A_485 : i32 to index
      %swap3A_487 = arith.index_cast %mul3A_11 : i32 to index
      %swap3A_488 = tpu.vector_load %arg6[%swap3A_486, %swap3A_487] {strides = array<i32>} : memref<16x512xf32, #tpu.memory_space<vmem>>, vector<16xf32>,
      tpu.vector_store %arg6[%swap3A_486, %swap3A_487], %add3A_484 {strides = array<i32>} : memref<16x512xf32, #tpu.memory_space<vmem>>, vector<16xf32>,
      %eq3A_489 = arith.constant 1.000000e+01 : f32
      %eq3A_490 = vector.broadcast %eq3A_489 : f32 to vector<16xf32>
      %eq3A_491 = arith.cmpf oeq, %select_n3A_150, %eq3A_490 : vector<16xf32>
      %convert_element_type3A_492 = arith.extui %eq3A_491 : vector<16xi1> to vector<16xi32>
      %convert_element_type3A_493 = arith.sitofp %convert_element_type3A_492 : vector<16xi32> to vector<16xf32>
      %mul3A_494 = arith.mulf %div3A_316, %convert_element_type3A_493 : vector<16xf32>
      %eq3A_495 = arith.constant 1.000000e+01 : f32
      %eq3A_496 = vector.broadcast %eq3A_495 : f32 to vector<16xf32>
      %eq3A_497 = arith.cmpf oeq, %select_n3A_311, %eq3A_496 : vector<16xf32>
      %convert_element_type3A_498 = arith.extui %eq3A_497 : vector<16xi1> to vector<16xi32>
      %convert_element_type3A_499 = arith.sitofp %convert_element_type3A_498 : vector<16xi32> to vector<16xf32>
      %mul3A_500 = arith.mulf %div3A_320, %convert_element_type3A_499 : vector<16xf32>
      %add3A_501 = arith.addf %mul3A_494, %mul3A_500 : vector<16xf32>
      %swap3A_502 = arith.constant 10 : i32
      %swap3A_503 = arith.index_cast %swap3A_502 : i32 to index
      %swap3A_504 = arith.index_cast %mul3A_11 : i32 to index
      %swap3A_505 = tpu.vector_load %arg6[%swap3A_503, %swap3A_504] {strides = array<i32>} : memref<16x512xf32, #tpu.memory_space<vmem>>, vector<16xf32>,
      tpu.vector_store %arg6[%swap3A_503, %swap3A_504], %add3A_501 {strides = array<i32>} : memref<16x512xf32, #tpu.memory_space<vmem>>, vector<16xf32>,
      %eq3A_506 = arith.constant 1.100000e+01 : f32
      %eq3A_507 = vector.broadcast %eq3A_506 : f32 to vector<16xf32>
      %eq3A_508 = arith.cmpf oeq, %select_n3A_150, %eq3A_507 : vector<16xf32>
      %convert_element_type3A_509 = arith.extui %eq3A_508 : vector<16xi1> to vector<16xi32>
      %convert_element_type3A_510 = arith.sitofp %convert_element_type3A_509 : vector<16xi32> to vector<16xf32>
      %mul3A_511 = arith.mulf %div3A_316, %convert_element_type3A_510 : vector<16xf32>
      %eq3A_512 = arith.constant 1.100000e+01 : f32
      %eq3A_513 = vector.broadcast %eq3A_512 : f32 to vector<16xf32>
      %eq3A_514 = arith.cmpf oeq, %select_n3A_311, %eq3A_513 : vector<16xf32>
      %convert_element_type3A_515 = arith.extui %eq3A_514 : vector<16xi1> to vector<16xi32>
      %convert_element_type3A_516 = arith.sitofp %convert_element_type3A_515 : vector<16xi32> to vector<16xf32>
      %mul3A_517 = arith.mulf %div3A_320, %convert_element_type3A_516 : vector<16xf32>
      %add3A_518 = arith.addf %mul3A_511, %mul3A_517 : vector<16xf32>
      %swap3A_519 = arith.constant 11 : i32
      %swap3A_520 = arith.index_cast %swap3A_519 : i32 to index
      %swap3A_521 = arith.index_cast %mul3A_11 : i32 to index
      %swap3A_522 = tpu.vector_load %arg6[%swap3A_520, %swap3A_521] {strides = array<i32>} : memref<16x512xf32, #tpu.memory_space<vmem>>, vector<16xf32>,
      tpu.vector_store %arg6[%swap3A_520, %swap3A_521], %add3A_518 {strides = array<i32>} : memref<16x512xf32, #tpu.memory_space<vmem>>, vector<16xf32>,
      %eq3A_523 = arith.constant 1.200000e+01 : f32
      %eq3A_524 = vector.broadcast %eq3A_523 : f32 to vector<16xf32>
      %eq3A_525 = arith.cmpf oeq, %select_n3A_150, %eq3A_524 : vector<16xf32>
      %convert_element_type3A_526 = arith.extui %eq3A_525 : vector<16xi1> to vector<16xi32>
      %convert_element_type3A_527 = arith.sitofp %convert_element_type3A_526 : vector<16xi32> to vector<16xf32>
      %mul3A_528 = arith.mulf %div3A_316, %convert_element_type3A_527 : vector<16xf32>
      %eq3A_529 = arith.constant 1.200000e+01 : f32
      %eq3A_530 = vector.broadcast %eq3A_529 : f32 to vector<16xf32>
      %eq3A_531 = arith.cmpf oeq, %select_n3A_311, %eq3A_530 : vector<16xf32>
      %convert_element_type3A_532 = arith.extui %eq3A_531 : vector<16xi1> to vector<16xi32>
      %convert_element_type3A_533 = arith.sitofp %convert_element_type3A_532 : vector<16xi32> to vector<16xf32>
      %mul3A_534 = arith.mulf %div3A_320, %convert_element_type3A_533 : vector<16xf32>
      %add3A_535 = arith.addf %mul3A_528, %mul3A_534 : vector<16xf32>
      %swap3A_536 = arith.constant 12 : i32
      %swap3A_537 = arith.index_cast %swap3A_536 : i32 to index
      %swap3A_538 = arith.index_cast %mul3A_11 : i32 to index
      %swap3A_539 = tpu.vector_load %arg6[%swap3A_537, %swap3A_538] {strides = array<i32>} : memref<16x512xf32, #tpu.memory_space<vmem>>, vector<16xf32>,
      tpu.vector_store %arg6[%swap3A_537, %swap3A_538], %add3A_535 {strides = array<i32>} : memref<16x512xf32, #tpu.memory_space<vmem>>, vector<16xf32>,
      %eq3A_540 = arith.constant 1.300000e+01 : f32
      %eq3A_541 = vector.broadcast %eq3A_540 : f32 to vector<16xf32>
      %eq3A_542 = arith.cmpf oeq, %select_n3A_150, %eq3A_541 : vector<16xf32>
      %convert_element_type3A_543 = arith.extui %eq3A_542 : vector<16xi1> to vector<16xi32>
      %convert_element_type3A_544 = arith.sitofp %convert_element_type3A_543 : vector<16xi32> to vector<16xf32>
      %mul3A_545 = arith.mulf %div3A_316, %convert_element_type3A_544 : vector<16xf32>
      %eq3A_546 = arith.constant 1.300000e+01 : f32
      %eq3A_547 = vector.broadcast %eq3A_546 : f32 to vector<16xf32>
      %eq3A_548 = arith.cmpf oeq, %select_n3A_311, %eq3A_547 : vector<16xf32>
      %convert_element_type3A_549 = arith.extui %eq3A_548 : vector<16xi1> to vector<16xi32>
      %convert_element_type3A_550 = arith.sitofp %convert_element_type3A_549 : vector<16xi32> to vector<16xf32>
      %mul3A_551 = arith.mulf %div3A_320, %convert_element_type3A_550 : vector<16xf32>
      %add3A_552 = arith.addf %mul3A_545, %mul3A_551 : vector<16xf32>
      %swap3A_553 = arith.constant 13 : i32
      %swap3A_554 = arith.index_cast %swap3A_553 : i32 to index
      %swap3A_555 = arith.index_cast %mul3A_11 : i32 to index
      %swap3A_556 = tpu.vector_load %arg6[%swap3A_554, %swap3A_555] {strides = array<i32>} : memref<16x512xf32, #tpu.memory_space<vmem>>, vector<16xf32>,
      tpu.vector_store %arg6[%swap3A_554, %swap3A_555], %add3A_552 {strides = array<i32>} : memref<16x512xf32, #tpu.memory_space<vmem>>, vector<16xf32>,
      %eq3A_557 = arith.constant 1.400000e+01 : f32
      %eq3A_558 = vector.broadcast %eq3A_557 : f32 to vector<16xf32>
      %eq3A_559 = arith.cmpf oeq, %select_n3A_150, %eq3A_558 : vector<16xf32>
      %convert_element_type3A_560 = arith.extui %eq3A_559 : vector<16xi1> to vector<16xi32>
      %convert_element_type3A_561 = arith.sitofp %convert_element_type3A_560 : vector<16xi32> to vector<16xf32>
      %mul3A_562 = arith.mulf %div3A_316, %convert_element_type3A_561 : vector<16xf32>
      %eq3A_563 = arith.constant 1.400000e+01 : f32
      %eq3A_564 = vector.broadcast %eq3A_563 : f32 to vector<16xf32>
      %eq3A_565 = arith.cmpf oeq, %select_n3A_311, %eq3A_564 : vector<16xf32>
      %convert_element_type3A_566 = arith.extui %eq3A_565 : vector<16xi1> to vector<16xi32>
      %convert_element_type3A_567 = arith.sitofp %convert_element_type3A_566 : vector<16xi32> to vector<16xf32>
      %mul3A_568 = arith.mulf %div3A_320, %convert_element_type3A_567 : vector<16xf32>
      %add3A_569 = arith.addf %mul3A_562, %mul3A_568 : vector<16xf32>
      %swap3A_570 = arith.constant 14 : i32
      %swap3A_571 = arith.index_cast %swap3A_570 : i32 to index
      %swap3A_572 = arith.index_cast %mul3A_11 : i32 to index
      %swap3A_573 = tpu.vector_load %arg6[%swap3A_571, %swap3A_572] {strides = array<i32>} : memref<16x512xf32, #tpu.memory_space<vmem>>, vector<16xf32>,
      tpu.vector_store %arg6[%swap3A_571, %swap3A_572], %add3A_569 {strides = array<i32>} : memref<16x512xf32, #tpu.memory_space<vmem>>, vector<16xf32>,
      %eq3A_574 = arith.constant 1.500000e+01 : f32
      %eq3A_575 = vector.broadcast %eq3A_574 : f32 to vector<16xf32>
      %eq3A_576 = arith.cmpf oeq, %select_n3A_150, %eq3A_575 : vector<16xf32>
      %convert_element_type3A_577 = arith.extui %eq3A_576 : vector<16xi1> to vector<16xi32>
      %convert_element_type3A_578 = arith.sitofp %convert_element_type3A_577 : vector<16xi32> to vector<16xf32>
      %mul3A_579 = arith.mulf %div3A_316, %convert_element_type3A_578 : vector<16xf32>
      %eq3A_580 = arith.constant 1.500000e+01 : f32
      %eq3A_581 = vector.broadcast %eq3A_580 : f32 to vector<16xf32>
      %eq3A_582 = arith.cmpf oeq, %select_n3A_311, %eq3A_581 : vector<16xf32>
      %convert_element_type3A_583 = arith.extui %eq3A_582 : vector<16xi1> to vector<16xi32>
      %convert_element_type3A_584 = arith.sitofp %convert_element_type3A_583 : vector<16xi32> to vector<16xf32>
      %mul3A_585 = arith.mulf %div3A_320, %convert_element_type3A_584 : vector<16xf32>
      %add3A_586 = arith.addf %mul3A_579, %mul3A_585 : vector<16xf32>
      %swap3A_587 = arith.constant 15 : i32
      %swap3A_588 = arith.index_cast %swap3A_587 : i32 to index
      %swap3A_589 = arith.index_cast %mul3A_11 : i32 to index
      %swap3A_590 = tpu.vector_load %arg6[%swap3A_588, %swap3A_589] {strides = array<i32>} : memref<16x512xf32, #tpu.memory_space<vmem>>, vector<16xf32>,
      tpu.vector_store %arg6[%swap3A_588, %swap3A_589], %add3A_586 {strides = array<i32>} : memref<16x512xf32, #tpu.memory_space<vmem>>, vector<16xf32>,
      %swap3A_591 = arith.constant 0 : i32
      %swap3A_592 = arith.index_cast %swap3A_591 : i32 to index
      %swap3A_593 = arith.index_cast %mul3A_11 : i32 to index
      %swap3A_594 = tpu.vector_load %arg7[%swap3A_592, %swap3A_593] {strides = array<i32>} : memref<4x512xf32, #tpu.memory_space<vmem>>, vector<16xf32>,
      tpu.vector_store %arg7[%swap3A_592, %swap3A_593], %div3A_316 {strides = array<i32>} : memref<4x512xf32, #tpu.memory_space<vmem>>, vector<16xf32>,
      %swap3A_595 = arith.constant 1 : i32
      %swap3A_596 = arith.index_cast %swap3A_595 : i32 to index
      %swap3A_597 = arith.index_cast %mul3A_11 : i32 to index
      %swap3A_598 = tpu.vector_load %arg7[%swap3A_596, %swap3A_597] {strides = array<i32>} : memref<4x512xf32, #tpu.memory_space<vmem>>, vector<16xf32>,
      tpu.vector_store %arg7[%swap3A_596, %swap3A_597], %div3A_320 {strides = array<i32>} : memref<4x512xf32, #tpu.memory_space<vmem>>, vector<16xf32>,
      %swap3A_599 = arith.constant 2 : i32
      %swap3A_600 = arith.index_cast %swap3A_599 : i32 to index
      %swap3A_601 = arith.index_cast %mul3A_11 : i32 to index
      %swap3A_602 = tpu.vector_load %arg7[%swap3A_600, %swap3A_601] {strides = array<i32>} : memref<4x512xf32, #tpu.memory_space<vmem>>, vector<16xf32>,
      tpu.vector_store %arg7[%swap3A_600, %swap3A_601], %select_n3A_150 {strides = array<i32>} : memref<4x512xf32, #tpu.memory_space<vmem>>, vector<16xf32>,
      %swap3A_603 = arith.constant 3 : i32
      %swap3A_604 = arith.index_cast %swap3A_603 : i32 to index
      %swap3A_605 = arith.index_cast %mul3A_11 : i32 to index
      %swap3A_606 = tpu.vector_load %arg7[%swap3A_604, %swap3A_605] {strides = array<i32>} : memref<4x512xf32, #tpu.memory_space<vmem>>, vector<16xf32>,
      tpu.vector_store %arg7[%swap3A_604, %swap3A_605], %select_n3A_311 {strides = array<i32>} : memref<4x512xf32, #tpu.memory_space<vmem>>, vector<16xf32>,
    }
    %scan3A_8 = arith.constant 32 : i32
    "tpu.region"() ({
      %run_scoped3A = tpu.sem_alloc : memref<!tpu.dma_semaphore, #tpu.memory_space<semaphore_mem>>
      %dma_start3A = arith.constant 0 : i32
      %dma_start3A_9 = tpu.memref_slice %arg3[%dma_start3A, %mul3A_2] : memref<16x16384xf32, #tpu.memory_space<hbm>> -> memref<16x512xf32, #tpu.memory_space<hbm>>
      %dma_start3A_10 = arith.constant 0 : i32
      %dma_start3A_11 = tpu.memref_slice %arg3[%dma_start3A_10, %mul3A_2] : memref<16x16384xf32, #tpu.memory_space<hbm>> -> memref<16x512xf32, #tpu.memory_space<hbm>>
      tpu.enqueue_dma source(%arg6 : memref<16x512xf32, #tpu.memory_space<vmem>>) target(%dma_start3A_11 : memref<16x512xf32, #tpu.memory_space<hbm>>) target_semaphore(%run_scoped3A : memref<!tpu.dma_semaphore, #tpu.memory_space<semaphore_mem>>)
      %dma_wait3A = arith.constant 0 : i32
      %dma_wait3A_12 = tpu.memref_slice %arg3[%dma_wait3A, %mul3A_2] : memref<16x16384xf32, #tpu.memory_space<hbm>> -> memref<16x512xf32, #tpu.memory_space<hbm>>
      %dma_wait3A_13 = arith.constant 0 : i32
      %dma_wait3A_14 = tpu.memref_slice %arg3[%dma_wait3A_13, %mul3A_2] : memref<16x16384xf32, #tpu.memory_space<hbm>> -> memref<16x512xf32, #tpu.memory_space<hbm>>
      tpu.wait_dma2 semaphore(%run_scoped3A : memref<!tpu.dma_semaphore, #tpu.memory_space<semaphore_mem>>) src(%arg6 : memref<16x512xf32, #tpu.memory_space<vmem>>) dst(%dma_wait3A_14 : memref<16x512xf32, #tpu.memory_space<hbm>>)
      tpu.yield
    }) : () -> ()
    "tpu.region"() ({
      %run_scoped3A = tpu.sem_alloc : memref<!tpu.dma_semaphore, #tpu.memory_space<semaphore_mem>>
      %dma_start3A = arith.constant 0 : i32
      %dma_start3A_9 = tpu.memref_slice %arg4[%dma_start3A, %mul3A_2] : memref<4x16384xf32, #tpu.memory_space<hbm>> -> memref<4x512xf32, #tpu.memory_space<hbm>>
      %dma_start3A_10 = arith.constant 0 : i32
      %dma_start3A_11 = tpu.memref_slice %arg4[%dma_start3A_10, %mul3A_2] : memref<4x16384xf32, #tpu.memory_space<hbm>> -> memref<4x512xf32, #tpu.memory_space<hbm>>
      tpu.enqueue_dma source(%arg7 : memref<4x512xf32, #tpu.memory_space<vmem>>) target(%dma_start3A_11 : memref<4x512xf32, #tpu.memory_space<hbm>>) target_semaphore(%run_scoped3A : memref<!tpu.dma_semaphore, #tpu.memory_space<semaphore_mem>>)
      %dma_wait3A = arith.constant 0 : i32
      %dma_wait3A_12 = tpu.memref_slice %arg4[%dma_wait3A, %mul3A_2] : memref<4x16384xf32, #tpu.memory_space<hbm>> -> memref<4x512xf32, #tpu.memory_space<hbm>>
      %dma_wait3A_13 = arith.constant 0 : i32
      %dma_wait3A_14 = tpu.memref_slice %arg4[%dma_wait3A_13, %mul3A_2] : memref<4x16384xf32, #tpu.memory_space<hbm>> -> memref<4x512xf32, #tpu.memory_space<hbm>>
      tpu.wait_dma2 semaphore(%run_scoped3A : memref<!tpu.dma_semaphore, #tpu.memory_space<semaphore_mem>>) src(%arg7 : memref<4x512xf32, #tpu.memory_space<vmem>>) dst(%dma_wait3A_14 : memref<4x512xf32, #tpu.memory_space<hbm>>)
      tpu.yield
    }) : () -> ()
    return
  }
}

module attributes {stable_mosaic.version = 14 : i64} {
  func.func @_logits_kernel(%arg0: i32, %arg1: memref<1024x1024xf32, #tpu.memory_space<vmem>>, %arg2: memref<1024x1024xf32, #tpu.memory_space<vmem>>, %arg3: memref<1024x16xf32, #tpu.memory_space<vmem>>, %arg4: memref<1024x16xf32, #tpu.memory_space<vmem>>, %arg5: memref<16x1024xf32, #tpu.memory_space<vmem>>) attributes {dimension_semantics = [#tpu.dimension_semantics<parallel>], iteration_bounds = array<i64: 16>, scalar_prefetch = 0 : i64, scratch_operands = 0 : i64, tpu.core_type = #tpu.core_type<tc>, window_params = [{transform_indices = @transform_0, window_bounds = array<i64: 1024, 1024>}, {transform_indices = @transform_1, window_bounds = array<i64: 1024, 1024>}, {pipeline_mode = #tpu.pipeline_mode<synchronous>, transform_indices = @transform_2, window_bounds = array<i64: 1024, 16>}, {pipeline_mode = #tpu.pipeline_mode<synchronous>, transform_indices = @transform_3, window_bounds = array<i64: 1024, 16>}, {transform_indices = @transform_4, window_bounds = array<i64: 16, 1024>}]} {
    %get3A = arith.constant 0 : index
    %get3A_0 = arith.constant 0 : index
    %get3A_1 = vector.load %arg1[%get3A, %get3A_0] : memref<1024x1024xf32, #tpu.memory_space<vmem>>, vector<1024x1024xf32>
    %get3A_2 = arith.constant 0 : index
    %get3A_3 = arith.constant 0 : index
    %get3A_4 = vector.load %arg3[%get3A_2, %get3A_3] : memref<1024x16xf32, #tpu.memory_space<vmem>>, vector<1024x16xf32>
    %dot_general3A = arith.constant dense<0.000000e+00> : vector<1024x16xf32>
    %dot_general3A_5 = tpu.matmul %get3A_1, %get3A_4, %dot_general3A {dimension_numbers = #tpu.dot_dimension_numbers<[1], [0], [0], [1], [0, 0, 1, 1], [], []>, transpose_lhs_hint = false} : vector<1024x1024xf32>, vector<1024x16xf32>, vector<1024x16xf32> -> vector<1024x16xf32>
    %get3A_6 = arith.constant 0 : index
    %get3A_7 = arith.constant 0 : index
    %get3A_8 = vector.load %arg2[%get3A_6, %get3A_7] : memref<1024x1024xf32, #tpu.memory_space<vmem>>, vector<1024x1024xf32>
    %get3A_9 = arith.constant 0 : index
    %get3A_10 = arith.constant 0 : index
    %get3A_11 = vector.load %arg4[%get3A_9, %get3A_10] : memref<1024x16xf32, #tpu.memory_space<vmem>>, vector<1024x16xf32>
    %dot_general3A_12 = arith.constant dense<0.000000e+00> : vector<1024x16xf32>
    %dot_general3A_13 = tpu.matmul %get3A_8, %get3A_11, %dot_general3A_12 {dimension_numbers = #tpu.dot_dimension_numbers<[1], [0], [0], [1], [0, 0, 1, 1], [], []>, transpose_lhs_hint = false} : vector<1024x1024xf32>, vector<1024x16xf32>, vector<1024x16xf32> -> vector<1024x16xf32>
    %add3A = arith.addf %dot_general3A_5, %dot_general3A_13 : vector<1024x16xf32>
    %transpose3A = tpu.transpose %add3A, [1, 0] : vector<1024x16xf32> -> vector<16x1024xf32>
    %swap3A = arith.constant 0 : index
    %swap3A_14 = arith.constant 0 : index
    %swap3A_15 = vector.load %arg5[%swap3A, %swap3A_14] : memref<16x1024xf32, #tpu.memory_space<vmem>>, vector<16x1024xf32>
    tpu.vector_store %arg5[%swap3A, %swap3A_14], %transpose3A {strides = array<i32>} : memref<16x1024xf32, #tpu.memory_space<vmem>>, vector<16x1024xf32>,
    return
  }
  func.func @transform_0(%arg0: i32) -> (i32, i32) {
    %c0_i32 = arith.constant 0 : i32
    %c0_i32_0 = arith.constant 0 : i32
    return %arg0, %c0_i32 : i32, i32
  }
  func.func @transform_1(%arg0: i32) -> (i32, i32) {
    %c1_i32 = arith.constant 1 : i32
    %c0_i32 = arith.constant 0 : i32
    return %arg0, %c1_i32 : i32, i32
  }
  func.func @transform_2(%arg0: i32) -> (i32, i32) {
    %c0_i32 = arith.constant 0 : i32
    %c0_i32_0 = arith.constant 0 : i32
    %c0_i32_1 = arith.constant 0 : i32
    return %c0_i32, %c0_i32_0 : i32, i32
  }
  func.func @transform_3(%arg0: i32) -> (i32, i32) {
    %c0_i32 = arith.constant 0 : i32
    %c0_i32_0 = arith.constant 0 : i32
    %c0_i32_1 = arith.constant 0 : i32
    return %c0_i32, %c0_i32_0 : i32, i32
  }
  func.func @transform_4(%arg0: i32) -> (i32, i32) {
    %c0_i32 = arith.constant 0 : i32
    %c0_i32_0 = arith.constant 0 : i32
    return %c0_i32, %arg0 : i32, i32
  }
}

</mosaic_0001>

<sc_bundles>
// kernel: kernel.4.cloned.1.call-start
scs
__scs_entry_jumppad:
0x0: {  	(pc) =	sbr.rel $0x88, $3  }
0x1: {  	(tag) =	ssettag $0x0;
	lr =	simm.s32 $0x1  }
0x2: {  	[smem:$0x3F9F] =	sst lr;
	_ =	strace $0xD0000000  }
0x3: {  	_ = 	snop  }
0x4: {  	_ = 	snop  }
0x5: {  	_ = 	snop  }
0x6: {  	_ = 	snop  }
0x7: {  	_ = 	snop  }
__scs_overlays_trampoline_lowered:
0x8: {  	[smem:$0x3FAE] =	sst s0  }
0x9: {  	[smem:$0x3FAF] =	sst s1  }
0xa: {  	[smem:$0x3FB0] =	sst s2  }
0xb: {  	[smem:$0x3FB1] =	sst s3  }
0xc: {  	[smem:$0x3FB2] =	sst s4  }
0xd: {  	[smem:$0x3FB3] =	sst s5  }
0xe: {  	[smem:$0x3FB4] =	sst s6  }
0xf: {  	[smem:$0x3FB5] =	sst s7  }
0x10: {  	[smem:$0x3FB6] =	sst s8  }
0x11: {  	[smem:$0x3FB7] =	sst s9;
	s0 =	simm.s32 @!p0 $0x0  }
0x12: {  	s1 =	sld [smem:$0x3F9D];
	s0 =	simm.s32 @p0 $0x1  }
0x13: {  	[smem:$0x3FB8] =	sst s0;
	s0 =	simm.s32 @!p1 $0x0  }
0x14: {  	s2 =	sld [smem:$0x3F9C];
	s0 =	simm.s32 @p1 $0x1  }
0x15: {  	[smem:$0x3FB9] =	sst s0;
	s0 =	simm.s32 @!p2 $0x0  }
0x16: {  	s3 =	sld [smem:$0x3FDB];
	s0 =	simm.s32 @p2 $0x1  }
0x17: {  	s4 =	simm.s32 $0x1BF5;
	[smem:$0x3FBB] =	sst s0  }
0x18: {  	s0 =	sld [smem:$0x3F9E];
	_ =	swait.ge [sflag:s4], $0x0  }
0x19: {  	s7 =	sld [smem:$0x3F9F]  }
0x1a: {  	s8 =	sadd.s32 $0xFFFFE003, lr  }
0x1b: {  	s9 =	sadd.s32 $0xFFFFFEF7, lr;
	s5 =	simm.s32 $0xFFFFFFFF;
	p2 =	slt.u32 s8, $0xFFFFF086  }
0x1c: {  	p1 =	slt.u32 s9, $0xF7A;
	s5 =	simm.s32 @!p2 $0x0  }
0x1d: {  	s5 =	simm.s32 @p1 $0x1;
	p0 =	seq.s32 s7, s2  }
0x1e: {  	s7 =	smul.u32 @!p0 $0xF7A, s2;
	p2 =	seq.s32 @!p0 s5, $0x0  }
0x1f: {  	s9 =	smul.u32 $0xF7A, s1;
	s8 =	simm.s32 @!p0 $0x1BF5;
	p2 =	por !p2, p0  }
0x20: {  	[sflag:s8] =	ssyncset.s32 @!p0 $0xFFFFF086;
	s6 =	sadd.s32 @!p0 s3, s7;
	s7 =	simm.s32 @!p0 $0x108  }
0x21: {  	s3 =	sadd.s32 s3, s9;
	s6 =	sadd.s32 @!p0 $0x88, s6;
	s7 =	simm.s32 @p2 $0x1082  }
0x22: {  	[simem:s7], [sflag:s8] =	dma.local @!p0 [hbm:s6], $0xF7A  }
0x23: {  	s9 =	sor.u32 $0xD0000000, s2;
	s6 =	simm.s32 $0x108;
	_ =	swait.ge @!p0 [sflag:s8], $0x0  }
0x24: {  	s3 =	sadd.s32 $0x88, s3;
	s6 =	simm.s32 @!p1 $0x1082;
	[sflag:s4] =	ssyncset.s32 $0xFFFFF086  }
0x25: {  	[simem:s6], [sflag:s4] =	dma.local [hbm:s3], $0xF7A  }
0x26: {  	[smem:$0x3F9F] =	sst s1;
	(tag) =	ssettag s2;
	_ =	strace s9  }
0x27: {  	s1 =	sld [smem:$0x3FAF]  }
0x28: {  	s2 =	sld [smem:$0x3FB0]  }
0x29: {  	s4 =	sld [smem:$0x3FB2]  }
0x2a: {  	p0 =	seq.s32 s5, $0x0;
	s5 =	sld [smem:$0x3FB3]  }
0x2b: {  	s6 =	sld [smem:$0x3FB4]  }
0x2c: {  	s7 =	sld [smem:$0x3FB5]  }
0x2d: {  	s3 =	simm.s32 $0x108;
	s8 =	sld [smem:$0x3FB6]  }
0x2e: {  	s3 =	simm.s32 @!p0 $0x1082;
	s9 =	sld [smem:$0x3FB7]  }
0x2f: {  	lr =	sadd.s32 s0, s3;
	s0 =	sld [smem:$0x3FAE]  }
0x30: {  	s3 =	sld [smem:$0x3FB1]  }
0x31: {  	[smem:$0x3FBA] =	sst s10  }
0x32: {  	s10 =	sld [smem:$0x3FB8];
	_ =	sdelay $0x3  }
0x33: {  	p0 =	seq.s32 s10, $0x1;
	s10 =	sld [smem:$0x3FBA];
	_ =	sdelay $0x3  }
0x34: {  	[smem:$0x3FBA] =	sst s10  }
0x35: {  	s10 =	sld [smem:$0x3FB9];
	_ =	sdelay $0x3  }
0x36: {  	p1 =	seq.s32 s10, $0x1;
	s10 =	sld [smem:$0x3FBA];
	_ =	sdelay $0x3  }
0x37: {  	[smem:$0x3FBA] =	sst s10  }
0x38: {  	s10 =	sld [smem:$0x3FBB]  }
0x39: {  	_ = 	snop;
	(pc) =	sbr.ind lr, $3  }
0x3a: {  	_ = 	snop  }
0x3b: {  	_ = 	snop  }
0x3c: {  	p2 =	seq.s32 s10, $0x1;
	s10 =	sld [smem:$0x3FBA]  }
0x3d: {  	_ =	shalt  }
0x3e: {  	_ =	shalt  }
0x3f: {  	_ =	shalt  }
0x40: {  	_ =	shalt  }
0x41: {  	_ =	shalt  }
0x42: {  	_ =	shalt  }
0x43: {  	_ =	shalt  }
0x44: {  	_ =	shalt  }
0x45: {  	_ =	shalt  }
0x46: {  	_ =	shalt  }
0x47: {  	_ =	shalt  }
0x48: {  	_ =	shalt  }
0x49: {  	_ =	shalt  }
0x4a: {  	_ =	shalt  }
0x4b: {  	_ =	shalt  }
0x4c: {  	_ =	shalt  }
0x4d: {  	_ =	shalt  }
0x4e: {  	_ =	shalt  }
0x4f: {  	_ =	shalt  }
0x50: {  	_ =	shalt  }
0x51: {  	_ =	shalt  }
0x52: {  	_ =	shalt  }
0x53: {  	_ =	shalt  }
0x54: {  	_ =	shalt  }
0x55: {  	_ =	shalt  }
0x56: {  	_ =	shalt  }
0x57: {  	_ =	shalt  }
0x58: {  	_ =	shalt  }
0x59: {  	_ =	shalt  }
0x5a: {  	_ =	shalt  }
0x5b: {  	_ =	shalt  }
0x5c: {  	_ =	shalt  }
0x5d: {  	_ =	shalt  }
0x5e: {  	_ =	shalt  }
0x5f: {  	_ =	shalt  }
0x60: {  	_ =	shalt  }
0x61: {  	_ =	shalt  }
0x62: {  	_ =	shalt  }
0x63: {  	_ =	shalt  }
0x64: {  	_ =	shalt  }
0x65: {  	_ =	shalt  }
0x66: {  	_ =	shalt  }
0x67: {  	_ =	shalt  }
0x68: {  	_ =	shalt  }
0x69: {  	_ =	shalt  }
0x6a: {  	_ =	shalt  }
0x6b: {  	_ =	shalt  }
0x6c: {  	_ =	shalt  }
0x6d: {  	_ =	shalt  }
0x6e: {  	_ =	shalt  }
0x6f: {  	_ =	shalt  }
0x70: {  	_ =	shalt  }
0x71: {  	_ =	shalt  }
0x72: {  	_ =	shalt  }
0x73: {  	_ =	shalt  }
0x74: {  	_ =	shalt  }
0x75: {  	_ =	shalt  }
0x76: {  	_ =	shalt  }
0x77: {  	_ =	shalt  }
0x78: {  	_ =	shalt  }
0x79: {  	_ =	shalt  }
0x7a: {  	_ =	shalt  }
0x7b: {  	_ =	shalt  }
0x7c: {  	_ =	shalt  }
0x7d: {  	_ =	shalt  }
0x7e: {  	_ =	shalt  }
0x7f: {  	_ =	shalt  }
0x80: {  	_ =	shalt  }
0x81: {  	_ =	shalt  }
0x82: {  	_ =	shalt  }
0x83: {  	_ =	shalt  }
0x84: {  	_ =	shalt  }
0x85: {  	_ =	shalt  }
0x86: {  	_ =	shalt  }
0x87: {  	_ =	shalt  }
.Lfunc_end0:
.L_simem_size_0:
called_computation_lowered:
.L_overlay_start_0:
0x88: {  	s2 =	sld [smem:$0x3FD9]  }
0x89: {  	s3 =	sld [smem:$0x3FFE];
	_ =	sdelay $0x1  }
0x8a: {  	s1 =	srdreg.scid  }
0x8b: {  	s0 =	sand.u32 $0x1, s1  }
0x8c: {  	s14 =	sshll.u32 s0, $0xA;
	s2 =	sadd.s32 s3, s2  }
0x8d: {  	s2 =	sadd.s32 s2, s14  }
0x8e: {  	[smem:$0x3FC6] =	sst s2  }
0x8f: {  	_ = 	snop  }
0x90: {  	s2 =	sld [smem:$0x3FD0];
	_ =	sdelay $0x2  }
0x91: {  	s15 =	simm.s32 $0xA;
	s4 =	simm.s32 $0x10  }
0x92: {  	[smem:s4], [sflag:s15] =	dma.local [hbm:s2], $0x1  }
0x93: {  	_ =	swait.eq [sflag:s15], $0x1  }
0x94: {  	[sflag:s15] =	ssyncset.done $0x0  }
0x95: {  	[sflag:s15] =	ssyncadd.s32 $0xFFFFFFFF  }
0x96: {  	s16 =	sld [smem:$0x12];
	(tm) =	ssettm $0x1  }
0x97: {  	s17 =	sld [smem:$0x3FFB];
	_ =	sdelay $0x3  }
0x98: {  	_ =	strace s17  }
0x99: {  	s3 =	sld [smem:$0x3FFC];
	_ =	sdelay $0x3  }
0x9a: {  	_ =	strace s3  }
0x9b: {  	s3 =	sld [smem:$0x3FFD];
	_ =	sdelay $0x3  }
0x9c: {  	_ =	strace s3  }
0x9d: {  	_ =	strace $0x8FFFFFFF  }
0x9e: {  	s18 =	sld [smem:$0x3FDB];
	_ =	sdelay $0x1  }
0x9f: {  	s19 =	simm.s32 $_scs_section_size  }
0xa0: {  	s5 =	simm.s32 $_size__tile_overlayer_lowered;
	s6 =	simm.s32 $_tile_overlayer_lowered  }
0xa1: {  	s22 =	simm.s32 $0x1BFF;
	s21 =	sshll.u32 s6, $0x1;
	s3 =	sadd.s32 s19, s18  }
0xa2: {  	s7 =	simm.s32 $0x0;
	s20 =	sshll.u32 s5, $0x1;
	s5 =	sadd.s32 s21, s3  }
0xa3: {  	[timem:s7], [sflag:s22] =	dma.local [hbm:s5], s20  }
0xa4: {  	_ =	swait.ge [sflag:s22], s20  }
0xa5: {  	s4 =	ssub.s32 $0x0, s20;
	[sflag:s22] =	ssyncset.done $0x0  }
0xa6: {  	[sflag:s22] =	ssyncadd.s32 s4;
	_ =	sdelay $0x1  }
0xa7: {  	s23 =	simm.s32 $0x1B8B  }
0xa8: {  	_ =	swait.ge [sflag:s23], $0x1  }
0xa9: {  	[sflag:s23] =	ssyncset.done $0x0  }
0xaa: {  	s25 =	simm.s32 $0x1B8E;
	s24 =	sld [smem:$0x3FFE];
	[sflag:s23] =	ssyncadd.s32 $0xFFFFFFFF  }
0xab: {  	s26 =	simm.s32 $execute0_lowered;
	[smem:$0x3FD2] =	sst s25  }
0xac: {  	s5 =	sshll.u32 s26, $0x1;
	_ =	strace $0x80000046;
	[dreg:$0x1] =	wrdreg $0xFFFFFFFF  }
0xad: {  	s28 =	simm.s32 $_size_execute0_lowered;
	s3 =	sadd.s32 s3, s5;
	[dreg:$0x0] =	wrdreg $0x0  }
0xae: {  	s5 =	sshll.u32 s28, $0x1;
	[dreg:$0x2] =	wrdreg s3  }
0xaf: {  	[dreg:$0x3] =	wrdreg s5  }
0xb0: {  	[dreg:$0x4] =	wrdreg $0xC0  }
0xb1: {  	_ =	task [dreg:s7], $0x5FFFF  }
0xb2: {  	[dreg:$0x1] =	wrdreg $0xFFFFFFFF  }
0xb3: {  	[dreg:$0x0] =	wrdreg $0x60  }
0xb4: {  	[dreg:$0x2] =	wrdreg s16  }
0xb5: {  	[dreg:$0x3] =	wrdreg s24  }
0xb6: {  	[dreg:$0x4] =	wrdreg $0x9  }
0xb7: {  	_ =	task.clear_ibuf [dreg:s7], $0x5FFFF;
	_ =	strace $0x90000046  }
0xb8: {  	s29 =	simm.s32 $0x9;
	_ =	strace $0x80000048  }
0xb9: {  	_ =	swait.ge [sflag:s29], $0x1  }
0xba: {  	[sflag:s29] =	ssyncadd.s32 $0xFFFFFFFF  }
0xbb: {  	_ =	strace $0x90000048  }
0xbc: {  	_ =	sfence  }
0xbd: {  	s30 =	sld [smem:$0x0];
	_ =	sdelay $0x2  }
0xbe: {  	s31 =	sshll.u32 s1, $0xD;
	s1 =	sshrl.u32 s1, $0x2  }
0xbf: {  	s3 =	sand.u32 $0x4000, s31;
	s1 =	sadd.s32 s1, s30  }
0xc0: {  	s0 =	sor.u32 s3, s0;
	s1 =	sshll.u32 s1, $0x11  }
0xc1: {  	s0 =	sor.u32 s1, s0  }
0xc2: {  	s0 =	sadd.s32 $0x8F2B, s0  }
0xc3: {  	[sflag:s0] =	ssyncadd.remote.s32 $0x1  }
0xc4: {  	_ =	sfence.sel $0xFFFF  }
0xc5: {  	[dreg:$0x0] =	wrdreg $0xFFFFFFFF;
	(pc) =	sbr.abs _section_cstart, $3  }
0xc6: {  	[dreg:$0x1] =	wrdreg $0xFFFFFFFF  }
0xc7: {  	_ =	task.clear_ibuf [dreg:s7], $0x2FFFF;
	_ =	strace $0x9FFFFFFF  }
0xc8: {  	(tm) =	ssettm $0x7FFFFFFF  }
0xc9: {  	_ =	shalt  }
tec
execute0_lowered:
.L_overlay_start_1:
0x0: {  	(tag) =	ssettag $0x1  }
0x1: {  	s3 =	rddreg [dreg:$0x0]  }
0x2: {  	s4 =	rddreg [dreg:$0x1]  }
0x3: {  	s0 =	rddreg [dreg:$0x2];
	s5 =	srdreg.scid  }
0x4: {  	s2 =	simm.s32 $0x0;
	s1 =	stileid.u32;
	s9 =	simm.s32 $0x1  }
0x5: {  	s10 =	simm.s32 $0x2000;
	s11 =	simm.s32 $0x0;
	s5 =	sand.u32 $0x1, s5  }
0x6: {  	s6 =	sshll.u32 s1, $0x7;
	s7 =	sshll.u32 s5, $0x6;
	s5 =	ssub.s32 $0x2, s5  }
0x7: {  	[smem:$0x7FF] =	sst s2;
	s6 =	sor.u32 s7, s6;
	s31 =	sshrl.u32 s5, $0x1  }
0x8: {  	_ =	strace $0x80000047;
	s8 =	sadd.s32 s6, s4;
	s7 =	ssub.s32 s5, s31  }
0x9: {  	s3 =	sadd.s32 s3, s6;
	s4 =	sadd.s32 $0x2C00, s8;
	s5 =	sadd.s32 $0xC00, s8  }
0xa: {  	v1 =	vimm.s32 $0x0;
	s6 =	smax.u32 s7, $0x1;
	s7 =	simm.s32 $0x200;
	s8 =	simm.s32 $0x4000  }
.LBB2_1:
0xb: {  	[tilespmem:s2], [sflag:$0x1] =	stream.strided.gather [hbm4b:s3+s7], $0x2000, s8, s7, $0x38;
	[tilespmem:$0x4800] =	vst v63  }
0xc: {  	_ =	swait.ge [sflag:s9], $0x2000  }
0xd: {  	[sflag:s9] =	ssyncset.done $0x0  }
0xe: {  	s12 =	simm.s32 $0x0;
	[sflag:s9] =	ssyncadd.s32 $0xFFFFE000  }
0xf: {  	v2 =	vld [tilespmem:s12+$0x0]  }
0x10: {  	v3 =	vld [tilespmem:s12+$0x200]  }
0x11: {  	v4 =	vld [tilespmem:s12+$0x400]  }
0x12: {  	v5 =	vld [tilespmem:s12+$0x600]  }
0x13: {  	v6 =	vld [tilespmem:s12+$0x800]  }
0x14: {  	v7 =	vld [tilespmem:s12+$0xA00]  }
0x15: {  	v8 =	vld [tilespmem:s12+$0xC00];
	v9 =	vmax.f32 v2, v3  }
0x16: {  	v10 =	vld [tilespmem:s12+$0xE00];
	v9 =	vmax.f32 v9, v4  }
0x17: {  	v11 =	vld [tilespmem:s12+$0x1000];
	v9 =	vmax.f32 v9, v5  }
0x18: {  	v12 =	vld [tilespmem:s12+$0x1200];
	v9 =	vmax.f32 v9, v6  }
0x19: {  	v13 =	vld [tilespmem:s12+$0x1400];
	v9 =	vmax.f32 v9, v7  }
0x1a: {  	v14 =	vld [tilespmem:s12+$0x1600];
	v9 =	vmax.f32 v9, v8  }
0x1b: {  	v15 =	vld [tilespmem:s12+$0x1800];
	v9 =	vmax.f32 v9, v10  }
0x1c: {  	v16 =	vld [tilespmem:s12+$0x1A00];
	v9 =	vmax.f32 v9, v11  }
0x1d: {  	v17 =	vld [tilespmem:s12+$0x1C00];
	v9 =	vmax.f32 v9, v12  }
0x1e: {  	v18 =	vld [tilespmem:s12+$0x1E00];
	v9 =	vmax.f32 v9, v13  }
0x1f: {  	v9 =	vmax.f32 v9, v14  }
0x20: {  	v9 =	vmax.f32 v9, v15  }
0x21: {  	v9 =	vmax.f32 v9, v16  }
0x22: {  	v9 =	vmax.f32 v9, v17  }
0x23: {  	v9 =	vmax.f32 v9, v18  }
0x24: {  	v0 =	vimm.f32 $0.0e+00;
	vm0 =	veq.f32 v18, v9  }
0x25: {  	v19 =	vsel vm0, $0x41700000, v0;
	vm0 =	veq.f32 v17, v9  }
0x26: {  	v19 =	vsel vm0, $0x41600000, v19;
	vm0 =	veq.f32 v16, v9  }
0x27: {  	v19 =	vsel vm0, $0x41500000, v19;
	vm0 =	veq.f32 v15, v9  }
0x28: {  	v19 =	vsel vm0, $0x41400000, v19;
	vm0 =	veq.f32 v14, v9  }
0x29: {  	v19 =	vsel vm0, $0x41300000, v19;
	vm0 =	veq.f32 v13, v9  }
0x2a: {  	v19 =	vsel vm0, $0x41200000, v19;
	vm0 =	veq.f32 v12, v9  }
0x2b: {  	v19 =	vsel vm0, $0x41100000, v19;
	vm0 =	veq.f32 v11, v9  }
0x2c: {  	v19 =	vsel vm0, $0x41000000, v19;
	vm0 =	veq.f32 v10, v9  }
0x2d: {  	v19 =	vsel vm0, $0x40E00000, v19;
	vm0 =	veq.f32 v8, v9  }
0x2e: {  	v19 =	vsel vm0, $0x40C00000, v19;
	vm0 =	veq.f32 v7, v9  }
0x2f: {  	v19 =	vsel vm0, $0x40A00000, v19;
	vm0 =	veq.f32 v6, v9  }
0x30: {  	v19 =	vsel vm0, $0x40800000, v19;
	vm0 =	veq.f32 v5, v9  }
0x31: {  	v19 =	vsel vm0, $0x40400000, v19;
	vm0 =	veq.f32 v4, v9  }
0x32: {  	v19 =	vsel vm0, $0x40000000, v19;
	vm0 =	veq.f32 v3, v9  }
0x33: {  	v19 =	vsel vm0, $0x3F800000, v19;
	vm0 =	veq.f32 v2, v9  }
0x34: {  	v19 =	vsel vm0, $0x0, v19  }
0x35: {  	v20 =	vimm.s32 $0x0;
	vm0 =	veq.f32 v19, $0.0e+00  }
0x36: {  	vm1 =	veq.f32 v19, $1.000000000e+00;
	v20 =	vsel vm0, $0xFFFFFFFF, v20  }
0x37: {  	vm2 =	veq.f32 v19, $2.000000000e+00;
	[tilespmem:$0x1FF70] =	vst v20;
	v20 =	vsel vm0, $0xFF800000, v2;
	v2 =	vsel vm1, $0xFF800000, v3  }
0x38: {  	vm3 =	veq.f32 v19, $3.000000000e+00;
	v3 =	vsel vm2, $0xFF800000, v4;
	v4 =	vmax.f32 v20, v2  }
0x39: {  	vm4 =	veq.f32 v19, $4.000000000e+00;
	v5 =	vsel vm3, $0xFF800000, v5;
	v4 =	vmax.f32 v4, v3  }
0x3a: {  	vm5 =	veq.f32 v19, $5.000000000e+00;
	v6 =	vsel vm4, $0xFF800000, v6;
	v4 =	vmax.f32 v4, v5  }
0x3b: {  	vm6 =	veq.f32 v19, $6.000000000e+00;
	v7 =	vsel vm5, $0xFF800000, v7;
	v4 =	vmax.f32 v4, v6  }
0x3c: {  	vm7 =	veq.f32 v19, $7.000000000e+00;
	v8 =	vsel vm6, $0xFF800000, v8;
	v4 =	vmax.f32 v4, v7  }
0x3d: {  	vm8 =	veq.f32 v19, $8.000000000e+00;
	v10 =	vsel vm7, $0xFF800000, v10;
	v4 =	vmax.f32 v4, v8  }
0x3e: {  	vm9 =	veq.f32 v19, $9.000000000e+00;
	v11 =	vsel vm8, $0xFF800000, v11;
	v4 =	vmax.f32 v4, v10  }
0x3f: {  	vm10 =	veq.f32 v19, $1.000000000e+01;
	v12 =	vsel vm9, $0xFF800000, v12;
	v4 =	vmax.f32 v4, v11  }
0x40: {  	vm11 =	veq.f32 v19, $1.100000000e+01;
	v13 =	vsel vm10, $0xFF800000, v13;
	v4 =	vmax.f32 v4, v12  }
0x41: {  	vm12 =	veq.f32 v19, $1.200000000e+01;
	v14 =	vsel vm11, $0xFF800000, v14;
	v4 =	vmax.f32 v4, v13  }
0x42: {  	vm13 =	veq.f32 v19, $1.300000000e+01;
	v15 =	vsel vm12, $0xFF800000, v15;
	v4 =	vmax.f32 v4, v14  }
0x43: {  	vm14 =	veq.f32 v19, $1.400000000e+01;
	v16 =	vsel vm13, $0xFF800000, v16;
	v4 =	vmax.f32 v4, v15  }
0x44: {  	vm15 =	veq.f32 v19, $1.500000000e+01;
	v17 =	vsel vm14, $0xFF800000, v17;
	v4 =	vmax.f32 v4, v16  }
0x45: {  	v18 =	vsel vm15, $0xFF800000, v18;
	v4 =	vmax.f32 v4, v17  }
0x46: {  	v4 =	vmax.f32 v4, v18  }
0x47: {  	v9 =	vsub.f32 v4, v9;
	_ =	sdelay $0x1  }
0x48: {  	v9 =	vmul.f32 $1.442695020e+00, v9;
	_ =	sdelay $0x1  }
0x49: {  	(erf) = vpow2.f32 v9;
	_ =	sdelay $0x4  }
0x4a: {  	vm0 =	veq.f32 v18, v4  }
0x4b: {  	v9 =	vsel vm0, $0x41700000, v0;
	vm0 =	veq.f32 v17, v4  }
0x4c: {  	v9 =	vsel vm0, $0x41600000, v9;
	vm0 =	veq.f32 v16, v4  }
0x4d: {  	v9 =	vsel vm0, $0x41500000, v9;
	vm0 =	veq.f32 v15, v4  }
0x4e: {  	v9 =	vsel vm0, $0x41400000, v9;
	vm0 =	veq.f32 v14, v4;
	v17 =	vpop (erf)  }
0x4f: {  	v9 =	vsel vm0, $0x41300000, v9;
	vm0 =	veq.f32 v13, v4;
	v16 =	vadd.f32 $1.000000000e+00, v17  }
0x50: {  	v9 =	vsel vm0, $0x41200000, v9;
	vm0 =	veq.f32 v12, v4  }
0x51: {  	v9 =	vsel vm0, $0x41100000, v9;
	vm0 =	veq.f32 v11, v4;
	(erf) = vrcp.f32 v16  }
0x52: {  	v9 =	vsel vm0, $0x41000000, v9;
	vm0 =	veq.f32 v10, v4  }
0x53: {  	v9 =	vsel vm0, $0x40E00000, v9;
	vm0 =	veq.f32 v8, v4  }
0x54: {  	s13 =	simm.s32 $0x10;
	[tilespmem:s12+$0x4400] =	vst v19;
	v8 =	vsel vm0, $0x40C00000, v9;
	vm0 =	veq.f32 v7, v4  }
0x55: {  	v19 =	vld [tilespmem:s13+$0x0];
	v7 =	vsel vm0, $0x40A00000, v8;
	vm0 =	veq.f32 v6, v4  }
0x56: {  	v28 =	vimm.s32 $0x0;
	v21 =	vld [tilespmem:s13+$0x200];
	v6 =	vsel vm0, $0x40800000, v7;
	vm0 =	veq.f32 v5, v4  }
0x57: {  	v22 =	vld [tilespmem:s13+$0x400];
	v26 =	vsel vm14, $0x3F800000, v1;
	v5 =	vsel vm0, $0x40400000, v6;
	vm0 =	veq.f32 v3, v4  }
0x58: {  	v23 =	vld [tilespmem:s13+$0x600];
	v18 =	vsel vm10, $0x3F800000, v1;
	v3 =	vsel vm0, $0x40000000, v5;
	vm0 =	veq.f32 v2, v4  }
0x59: {  	v24 =	vld [tilespmem:s13+$0x800];
	v14 =	vsel vm9, $0x3F800000, v1;
	v3 =	vsel vm0, $0x3F800000, v3;
	vm0 =	veq.f32 v20, v4  }
0x5a: {  	v13 =	vsel vm2, $0x3F800000, v1;
	v12 =	vsel vm8, $0x3F800000, v1;
	v3 =	vsel vm0, $0x0, v3;
	v8 =	vpop (erf)  }
0x5b: {  	v25 =	vld [tilespmem:s13+$0xA00];
	v5 =	vmax.f32 v19, v21;
	vm0 =	veq.f32 v3, $1.500000000e+01;
	v2 =	vmul.f32 v8, v17  }
0x5c: {  	v27 =	vld [tilespmem:s13+$0xC00];
	v4 =	vsel vm15, $0x3F800000, v1;
	v5 =	vmax.f32 v5, v22;
	v6 =	vsel vm0, $0x3F800000, v1  }
0x5d: {  	v29 =	vld [tilespmem:s13+$0xE00];
	v5 =	vmax.f32 v5, v23;
	v4 =	vmul.f32 v4, v8;
	v6 =	vmul.f32 v6, v2  }
0x5e: {  	v30 =	vld [tilespmem:s13+$0x1000];
	v9 =	vsel vm5, $0x3F800000, v1;
	v16 =	vsel vm13, $0x3F800000, v1;
	v5 =	vmax.f32 v5, v24;
	[tilespmem:s12+$0x4200] =	vst v2  }
0x5f: {  	vm5 =	veq.f32 v3, $0.0e+00;
	vm9 =	veq.f32 v3, $8.000000000e+00;
	v31 =	vld [tilespmem:s13+$0x1200];
	[tilespmem:s12+$0x4000] =	vst v8;
	v4 =	vadd.f32 v6, v4  }
0x60: {  	vm10 =	veq.f32 v3, $9.000000000e+00;
	v5 =	vmax.f32 v5, v25;
	v39 =	vsel vm5, $0x3F800000, v1;
	v32 =	vld [tilespmem:s13+$0x1400];
	[tilespmem:s12+$0x4600] =	vst v3  }
0x61: {  	v47 =	vsel vm9, $0x3F800000, v1;
	v49 =	vsel vm10, $0x3F800000, v1;
	v5 =	vmax.f32 v5, v27;
	v33 =	vld [tilespmem:s13+$0x1600];
	[tilespmem:s12+$0x3E00] =	vst v4  }
0x62: {  	v17 =	vsel vm6, $0x3F800000, v1;
	vm6 =	veq.f32 v3, $1.000000000e+00;
	v6 =	vmax.f32 v5, v29;
	v34 =	vld [tilespmem:s13+$0x1800]  }
0x63: {  	v13 =	vmul.f32 v13, v8;
	v57 =	vmul.f32 v9, v8;
	v7 =	vmax.f32 v6, v30;
	v35 =	vld [tilespmem:s13+$0x1A00]  }
0x64: {  	v9 =	vmul.f32 v26, v8;
	v40 =	vsel vm6, $0x3F800000, v1;
	v36 =	vld [tilespmem:s13+$0x1C00];
	v10 =	vmax.f32 v7, v31  }
0x65: {  	v17 =	vmul.f32 v17, v8;
	v58 =	vmul.f32 v40, v2;
	v37 =	vld [tilespmem:s13+$0x1E00];
	v11 =	vmax.f32 v10, v32  }
0x66: {  	v47 =	vmul.f32 v47, v2;
	v40 =	vmul.f32 v16, v8;
	v4 =	vld [tilespmem:$0x1FF70];
	v11 =	vmax.f32 v11, v33  }
0x67: {  	v6 =	vsel vm3, $0x3F800000, v1;
	v7 =	vsel vm4, $0x3F800000, v1;
	v15 =	vmax.f32 v11, v34  }
0x68: {  	vm4 =	veq.f32 v3, $7.000000000e+00;
	v10 =	vsel vm7, $0x3F800000, v1;
	v20 =	vmax.f32 v15, v35  }
0x69: {  	vm7 =	veq.f32 v3, $2.000000000e+00;
	v46 =	vsel vm4, $0x3F800000, v1;
	v20 =	vmax.f32 v20, v36  }
0x6a: {  	v41 =	vsel vm7, $0x3F800000, v1;
	v46 =	vmul.f32 v46, v2;
	v38 =	vmax.f32 v20, v37  }
0x6b: {  	vm0 =	vnez.u8 v4;
	v4 =	vsel vm1, $0x3F800000, v1;
	vm1 =	veq.f32 v37, v38  }
0x6c: {  	v59 =	vmul.f32 v41, v2;
	vm2 =	veq.f32 v36, v38;
	v20 =	vsel vm1, $0x41700000, v0  }
0x6d: {  	v5 =	vsel vm0, $0x3F800000, v1;
	vm3 =	veq.f32 v35, v38;
	v20 =	vsel vm2, $0x41600000, v20  }
0x6e: {  	v11 =	vsel vm11, $0x3F800000, v1;
	vm13 =	veq.f32 v34, v38;
	v20 =	vsel vm3, $0x41500000, v20  }
0x6f: {  	vm0 =	veq.f32 v3, $3.000000000e+00;
	vm14 =	veq.f32 v33, v38;
	v20 =	vsel vm13, $0x41400000, v20  }
0x70: {  	v4 =	vmul.f32 v4, v8;
	vm15 =	veq.f32 v32, v38;
	v20 =	vsel vm14, $0x41300000, v20  }
0x71: {  	v15 =	vsel vm12, $0x3F800000, v1;
	vm12 =	veq.f32 v31, v38;
	v20 =	vsel vm15, $0x41200000, v20  }
0x72: {  	v42 =	vsel vm0, $0x3F800000, v1;
	vm13 =	veq.f32 v30, v38;
	v20 =	vsel vm12, $0x41100000, v20  }
0x73: {  	v5 =	vmul.f32 v5, v8;
	vm15 =	veq.f32 v29, v38;
	v20 =	vsel vm13, $0x41000000, v20  }
0x74: {  	v41 =	vmul.f32 v11, v8;
	vm11 =	veq.f32 v27, v38;
	v20 =	vsel vm15, $0x40E00000, v20  }
0x75: {  	v54 =	vmul.f32 v42, v2;
	vm12 =	veq.f32 v25, v38;
	v20 =	vsel vm11, $0x40C00000, v20  }
0x76: {  	v55 =	vadd.f32 v58, v4;
	vm13 =	veq.f32 v24, v38;
	v20 =	vsel vm12, $0x40A00000, v20  }
0x77: {  	v58 =	vmul.f32 v12, v8;
	vm0 =	veq.f32 v23, v38;
	v20 =	vsel vm13, $0x40800000, v20  }
0x78: {  	vm1 =	veq.f32 v3, $4.000000000e+00;
	v20 =	vsel vm0, $0x40400000, v20;
	vm0 =	veq.f32 v22, v38  }
0x79: {  	vm2 =	veq.f32 v3, $5.000000000e+00;
	v20 =	vsel vm0, $0x40000000, v20;
	vm0 =	veq.f32 v21, v38  }
0x7a: {  	vm3 =	veq.f32 v3, $6.000000000e+00;
	v20 =	vsel vm0, $0x3F800000, v20;
	vm0 =	veq.f32 v19, v38  }
0x7b: {  	v44 =	vsel vm2, $0x3F800000, v1;
	vm14 =	veq.f32 v3, $1.000000000e+01;
	v48 =	vsel vm0, $0x0, v20  }
0x7c: {  	v45 =	vsel vm3, $0x3F800000, v1;
	v28 =	vsel vm14, $0xFFFFFFFF, v28;
	vm13 =	veq.f32 v48, $0.0e+00  }
0x7d: {  	vm12 =	veq.f32 v48, $1.000000000e+00;
	vm14 =	veq.f32 v48, $2.000000000e+00;
	vm15 =	veq.f32 v48, $3.000000000e+00  }
0x7e: {  	vm11 =	veq.f32 v48, $4.000000000e+00;
	v19 =	vsel vm13, $0xFF800000, v19;
	v20 =	vsel vm12, $0xFF800000, v21  }
0x7f: {  	vm10 =	veq.f32 v48, $5.000000000e+00;
	v21 =	vsel vm14, $0xFF800000, v22;
	v22 =	vmax.f32 v19, v20  }
0x80: {  	[tilespmem:$0x1FF80] =	vst v28;
	vm9 =	veq.f32 v48, $6.000000000e+00;
	v28 =	vsel vm15, $0xFF800000, v23;
	v22 =	vmax.f32 v22, v21  }
0x81: {  	vm8 =	veq.f32 v48, $7.000000000e+00;
	v50 =	vsel vm11, $0xFF800000, v24;
	v22 =	vmax.f32 v22, v28  }
0x82: {  	vm7 =	veq.f32 v48, $8.000000000e+00;
	v51 =	vsel vm10, $0xFF800000, v25;
	v22 =	vmax.f32 v22, v50  }
0x83: {  	vm6 =	veq.f32 v48, $9.000000000e+00;
	v52 =	vsel vm9, $0xFF800000, v27;
	v22 =	vmax.f32 v22, v51  }
0x84: {  	vm5 =	veq.f32 v48, $1.000000000e+01;
	v53 =	vsel vm8, $0xFF800000, v29;
	v22 =	vmax.f32 v22, v52  }
0x85: {  	vm3 =	veq.f32 v48, $1.100000000e+01;
	v30 =	vsel vm7, $0xFF800000, v30;
	v22 =	vmax.f32 v22, v53  }
0x86: {  	vm4 =	veq.f32 v48, $1.200000000e+01;
	v31 =	vsel vm6, $0xFF800000, v31;
	v22 =	vmax.f32 v22, v30  }
0x87: {  	vm2 =	veq.f32 v48, $1.300000000e+01;
	v32 =	vsel vm5, $0xFF800000, v32;
	v22 =	vmax.f32 v22, v31  }
0x88: {  	vm0 =	veq.f32 v48, $1.400000000e+01;
	v33 =	vsel vm3, $0xFF800000, v33;
	v22 =	vmax.f32 v22, v32  }
0x89: {  	v34 =	vsel vm4, $0xFF800000, v34;
	v23 =	vimm.s32 $0x0;
	v22 =	vmax.f32 v22, v33  }
0x8a: {  	v35 =	vsel vm2, $0xFF800000, v35;
	v23 =	vsel vm0, $0xFFFFFFFF, v23;
	v22 =	vmax.f32 v22, v34  }
0x8b: {  	v36 =	vsel vm0, $0xFF800000, v36;
	vm0 =	veq.f32 v48, $1.500000000e+01;
	[tilespmem:$0x1FFF0] =	vst v23;
	v23 =	vld [tilespmem:$0x1FF80];
	v22 =	vmax.f32 v22, v35  }
0x8c: {  	v43 =	vsel vm1, $0x3F800000, v1;
	v37 =	vsel vm0, $0xFF800000, v37;
	v22 =	vmax.f32 v22, v36  }
0x8d: {  	v42 =	vmul.f32 v14, v8;
	v43 =	vmul.f32 v43, v2;
	v29 =	vmax.f32 v22, v37  }
0x8e: {  	v44 =	vmul.f32 v44, v2;
	v45 =	vmul.f32 v45, v2;
	v22 =	vsub.f32 v29, v38  }
0x8f: {  	v56 =	vadd.f32 v59, v13;
	v24 =	vmul.f32 v39, v2;
	v27 =	vmul.f32 v49, v2  }
0x90: {  	v13 =	vsel vm13, $0x3F800000, v1;
	vm1 =	vnez.u8 v23;
	v22 =	vmul.f32 $1.442695020e+00, v22  }
0x91: {  	v63 =	vadd.f32 v24, v5;
	v23 =	vsel vm1, $0x3F800000, v1;
	vm1 =	veq.f32 v3, $1.100000000e+01  }
0x92: {  	v60 =	vsel vm1, $0x3F800000, v1;
	vm1 =	veq.f32 v3, $1.200000000e+01;
	(erf) = vpow2.f32 v22  }
0x93: {  	v25 =	vmul.f32 v23, v2;
	v61 =	vsel vm1, $0x3F800000, v1;
	vm1 =	veq.f32 v3, $1.300000000e+01  }
0x94: {  	v62 =	vsel vm1, $0x3F800000, v1;
	vm1 =	veq.f32 v3, $1.400000000e+01;
	v24 =	vmul.f32 v61, v2  }
0x95: {  	v61 =	vmul.f32 v7, v8;
	v7 =	vsel vm9, $0x3F800000, v1;
	v3 =	vsel vm1, $0x3F800000, v1  }
0x96: {  	[tilespmem:s13+$0x4400] =	vst v48;
	v23 =	vmul.f32 v62, v2;
	v62 =	vmul.f32 v10, v8;
	vm1 =	veq.f32 v37, v29  }
0x97: {  	[tilespmem:s12+$0x2200] =	vst v55;
	vm13 =	veq.f32 v35, v29;
	v38 =	vmul.f32 v15, v8;
	v15 =	vadd.f32 v43, v61  }
0x98: {  	[tilespmem:s12+$0x2400] =	vst v56;
	v37 =	vmul.f32 v18, v8;
	v18 =	vadd.f32 v44, v57;
	v22 =	vmul.f32 v60, v2  }
0x99: {  	[tilespmem:s12+$0x2800] =	vst v15;
	v15 =	vsel vm4, $0x3F800000, v1;
	v2 =	vmul.f32 v3, v2;
	v60 =	vmul.f32 v6, v8  }
0x9a: {  	[tilespmem:s12+$0x2000] =	vst v63;
	v8 =	vsel vm1, $0x41700000, v0;
	vm1 =	veq.f32 v31, v29;
	v31 =	vadd.f32 v46, v62  }
0x9b: {  	[tilespmem:$0x1FF90] =	vst v2;
	v2 =	vsel vm12, $0x3F800000, v1;
	vm12 =	veq.f32 v36, v29;
	v14 =	vadd.f32 v54, v60;
	v39 =	vpop (erf)  }
0x9c: {  	[tilespmem:$0x1FFA0] =	vst v2;
	v2 =	vsel vm14, $0x3F800000, v1;
	vm14 =	veq.f32 v34, v29;
	v10 =	vadd.f32 $1.000000000e+00, v39  }
0x9d: {  	[tilespmem:s12+$0x2A00] =	vst v18;
	v8 =	vsel vm12, $0x41600000, v8;
	vm12 =	veq.f32 v30, v29;
	v30 =	vadd.f32 v45, v17  }
0x9e: {  	[tilespmem:$0x1FFB0] =	vst v2;
	v2 =	vsel vm15, $0x3F800000, v1;
	(erf) = vrcp.f32 v10;
	v10 =	vsel vm13, $0x41500000, v8  }
0x9f: {  	[tilespmem:$0x1FFC0] =	vst v2;
	v2 =	vsel vm11, $0x3F800000, v1;
	vm11 =	veq.f32 v33, v29;
	v11 =	vsel vm14, $0x41400000, v10  }
0xa0: {  	[tilespmem:$0x1FFD0] =	vst v2;
	v2 =	vsel vm10, $0x3F800000, v1;
	vm10 =	veq.f32 v32, v29;
	v12 =	vsel vm11, $0x41300000, v11  }
0xa1: {  	s14 =	simm.s32 $0x20;
	v0 =	vld [tilespmem:$0x1FFF0];
	vm15 =	veq.f32 v51, v29;
	[tilespmem:s12+$0x2600] =	vst v14;
	v14 =	vsel vm5, $0x3F800000, v1;
	v16 =	vsel vm10, $0x41200000, v12  }
0xa2: {  	v26 =	vld [tilespmem:s14+$0x0];
	[tilespmem:s12+$0x2C00] =	vst v30;
	v30 =	vadd.f32 v47, v58;
	vm13 =	veq.f32 v53, v29;
	v16 =	vsel vm1, $0x41100000, v16  }
0xa3: {  	vm14 =	veq.f32 v52, v29;
	v10 =	vsel vm8, $0x3F800000, v1;
	v17 =	vsel vm12, $0x41000000, v16  }
0xa4: {  	v11 =	vsel vm7, $0x3F800000, v1;
	v12 =	vsel vm6, $0x3F800000, v1;
	v17 =	vsel vm13, $0x40E00000, v17  }
0xa5: {  	vm1 =	veq.f32 v50, v29;
	v16 =	vsel vm3, $0x3F800000, v1;
	v18 =	vsel vm14, $0x40C00000, v17  }
0xa6: {  	vm3 =	vnez.u8 v0;
	v17 =	vsel vm2, $0x3F800000, v1;
	v63 =	vsel vm15, $0x40A00000, v18  }
0xa7: {  	s15 =	simm.s32 $0xC0;
	[tilespmem:$0x1FFE0] =	vst v2;
	vm2 =	veq.f32 v28, v29;
	v18 =	vsel vm3, $0x3F800000, v1;
	v28 =	vsel vm1, $0x40800000, v63  }
.LBB2_2:
0xa8: {  	_ =	sdelay $0x3  }
0xa9: {  	v28 =	vsel vm2, $0x40400000, v28  }
0xaa: {  	v36 =	vld [tilespmem:s14+$0x200];
	vm1 =	veq.f32 v21, v29;
	v27 =	vadd.f32 v27, v42;
	v22 =	vadd.f32 v22, v41;
	[tilespmem:s12+$0x2E00] =	vst v31  }
0xab: {  	v0 =	vsel vm1, $0x40000000, v28;
	vm1 =	veq.f32 v20, v29;
	v20 =	vadd.f32 v25, v37;
	v21 =	vld [tilespmem:s14+$0x400];
	[tilespmem:s12+$0x3000] =	vst v30  }
0xac: {  	v23 =	vadd.f32 v23, v40;
	v25 =	vsel vm1, $0x3F800000, v0;
	vm1 =	veq.f32 v19, v29;
	v37 =	vld [tilespmem:s14+$0x600];
	[tilespmem:s12+$0x3200] =	vst v27  }
0xad: {  	v8 =	vimm.f32 $0.0e+00;
	v25 =	vsel vm1, $0x0, v25;
	v29 =	vld [tilespmem:s14+$0x800];
	[tilespmem:s12+$0x3400] =	vst v20;
	v20 =	vadd.f32 v24, v38;
	v28 =	vpop (erf)  }
0xae: {  	vm1 =	veq.f32 v25, $0.0e+00;
	vm2 =	veq.f32 v25, $1.500000000e+01;
	v38 =	vld [tilespmem:s14+$0xA00];
	[tilespmem:s12+$0x3600] =	vst v22;
	v19 =	vmul.f32 v28, v39  }
0xaf: {  	v24 =	vsel vm0, $0x3F800000, v1;
	v22 =	vmax.f32 v26, v36;
	v27 =	vsel vm2, $0x3F800000, v1;
	v63 =	vld [tilespmem:s14+$0xC00];
	[tilespmem:s12+$0x3800] =	vst v20  }
0xb0: {  	v60 =	vld [tilespmem:s14+$0xE00];
	v20 =	vmax.f32 v22, v21;
	[tilespmem:s12+$0x3A00] =	vst v23;
	v22 =	vmul.f32 v24, v28;
	v24 =	vmul.f32 v27, v19  }
0xb1: {  	vm0 =	veq.f32 v25, $1.000000000e+00;
	vm3 =	veq.f32 v25, $3.000000000e+00;
	v61 =	vld [tilespmem:s14+$0x1000];
	v20 =	vmax.f32 v20, v37;
	[tilespmem:s13+$0x4200] =	vst v19  }
0xb2: {  	vm5 =	veq.f32 v25, $4.000000000e+00;
	v20 =	vmax.f32 v20, v29;
	v62 =	vld [tilespmem:s14+$0x1200];
	[tilespmem:s13+$0x4000] =	vst v28;
	v22 =	vadd.f32 v24, v22  }
0xb3: {  	vm4 =	veq.f32 v25, $5.000000000e+00;
	vm7 =	veq.f32 v25, $6.000000000e+00;
	v20 =	vmax.f32 v20, v38;
	v43 =	vld [tilespmem:s14+$0x1400];
	[tilespmem:s13+$0x4600] =	vst v25  }
0xb4: {  	vm6 =	veq.f32 v25, $7.000000000e+00;
	vm11 =	veq.f32 v25, $8.000000000e+00;
	v20 =	vmax.f32 v20, v63;
	v44 =	vld [tilespmem:s14+$0x1600];
	[tilespmem:s13+$0x3E00] =	vst v22  }
0xb5: {  	vm8 =	veq.f32 v25, $9.000000000e+00;
	vm12 =	veq.f32 v25, $1.000000000e+01;
	v20 =	vmax.f32 v20, v60;
	v45 =	vld [tilespmem:s14+$0x1800]  }
0xb6: {  	vm9 =	veq.f32 v25, $1.100000000e+01;
	vm13 =	veq.f32 v25, $1.200000000e+01;
	v20 =	vmax.f32 v20, v61;
	v46 =	vld [tilespmem:s14+$0x1A00]  }
0xb7: {  	vm10 =	veq.f32 v25, $1.300000000e+01;
	vm2 =	veq.f32 v25, $2.000000000e+00;
	v47 =	vld [tilespmem:s14+$0x1C00];
	v20 =	vmax.f32 v20, v62  }
0xb8: {  	v30 =	vsel vm4, $0x3F800000, v1;
	v31 =	vsel vm7, $0x3F800000, v1;
	v48 =	vld [tilespmem:s14+$0x1E00];
	v20 =	vmax.f32 v20, v43  }
0xb9: {  	v51 =	vsel vm6, $0x3F800000, v1;
	v54 =	vsel vm11, $0x3F800000, v1;
	v20 =	vmax.f32 v20, v44  }
0xba: {  	v55 =	vsel vm12, $0x3F800000, v1;
	v56 =	vsel vm9, $0x3F800000, v1;
	v20 =	vmax.f32 v20, v45  }
0xbb: {  	v57 =	vsel vm13, $0x3F800000, v1;
	v58 =	vsel vm10, $0x3F800000, v1;
	v20 =	vmax.f32 v20, v46  }
0xbc: {  	v23 =	vsel vm0, $0x3F800000, v1;
	v27 =	vsel vm5, $0x3F800000, v1;
	v20 =	vmax.f32 v20, v47  }
0xbd: {  	v49 =	vmul.f32 v23, v19;
	v33 =	vmul.f32 v30, v19;
	v53 =	vmax.f32 v20, v48  }
0xbe: {  	v30 =	vmul.f32 v54, v19;
	v23 =	vmul.f32 v58, v19;
	vm0 =	veq.f32 v48, v53  }
0xbf: {  	v58 =	vmul.f32 v13, v28;
	v32 =	vsel vm0, $0x41700000, v8;
	vm0 =	veq.f32 v47, v53  }
0xc0: {  	v34 =	vmul.f32 v27, v19;
	v32 =	vsel vm0, $0x41600000, v32;
	vm0 =	veq.f32 v46, v53  }
0xc1: {  	v22 =	vsel vm1, $0x3F800000, v1;
	v32 =	vsel vm0, $0x41500000, v32;
	vm0 =	veq.f32 v45, v53  }
0xc2: {  	v52 =	vmul.f32 v22, v19;
	v22 =	vsel vm0, $0x41400000, v32;
	vm0 =	veq.f32 v44, v53  }
0xc3: {  	v24 =	vsel vm2, $0x3F800000, v1;
	v22 =	vsel vm0, $0x41300000, v22;
	vm0 =	veq.f32 v43, v53  }
0xc4: {  	v50 =	vmul.f32 v24, v19;
	v22 =	vsel vm0, $0x41200000, v22;
	vm0 =	veq.f32 v62, v53  }
0xc5: {  	v24 =	vmul.f32 v57, v19;
	v22 =	vsel vm0, $0x41100000, v22;
	vm0 =	veq.f32 v61, v53  }
0xc6: {  	vm1 =	veq.f32 v25, $1.400000000e+01;
	v22 =	vsel vm0, $0x41000000, v22;
	vm0 =	veq.f32 v60, v53  }
0xc7: {  	v25 =	vsel vm3, $0x3F800000, v1;
	v22 =	vsel vm0, $0x40E00000, v22;
	vm0 =	veq.f32 v63, v53  }
0xc8: {  	v59 =	vsel vm1, $0x3F800000, v1;
	v22 =	vsel vm0, $0x40C00000, v22;
	vm0 =	veq.f32 v38, v53  }
0xc9: {  	v35 =	vmul.f32 v25, v19;
	v22 =	vsel vm0, $0x40A00000, v22;
	vm0 =	veq.f32 v29, v53  }
0xca: {  	v20 =	vsel vm8, $0x3F800000, v1;
	v22 =	vsel vm0, $0x40800000, v22;
	vm0 =	veq.f32 v37, v53  }
0xcb: {  	v27 =	vmul.f32 v20, v19;
	v20 =	vsel vm0, $0x40400000, v22;
	vm0 =	veq.f32 v21, v53  }
0xcc: {  	v25 =	vmul.f32 v55, v19;
	v20 =	vsel vm0, $0x40000000, v20;
	vm0 =	veq.f32 v36, v53  }
0xcd: {  	v57 =	vmul.f32 v59, v19;
	v20 =	vsel vm0, $0x3F800000, v20;
	vm0 =	veq.f32 v26, v53  }
0xce: {  	v32 =	vmul.f32 v31, v19;
	v22 =	vmul.f32 v56, v19;
	v56 =	vsel vm0, $0x0, v20  }
0xcf: {  	v31 =	vmul.f32 v51, v19;
	vm2 =	veq.f32 v56, $0.0e+00;
	vm1 =	veq.f32 v56, $1.000000000e+00  }
0xd0: {  	vm3 =	veq.f32 v56, $2.000000000e+00;
	v19 =	vsel vm2, $0xFF800000, v26;
	v20 =	vsel vm1, $0xFF800000, v36  }
0xd1: {  	vm4 =	veq.f32 v56, $3.000000000e+00;
	v21 =	vsel vm3, $0xFF800000, v21;
	v13 =	vmax.f32 v19, v20  }
0xd2: {  	vm5 =	veq.f32 v56, $4.000000000e+00;
	v36 =	vsel vm4, $0xFF800000, v37;
	v13 =	vmax.f32 v13, v21  }
0xd3: {  	vm6 =	veq.f32 v56, $5.000000000e+00;
	v26 =	vsel vm5, $0xFF800000, v29;
	v13 =	vmax.f32 v13, v36  }
0xd4: {  	vm7 =	veq.f32 v56, $6.000000000e+00;
	v51 =	vsel vm6, $0xFF800000, v38;
	v13 =	vmax.f32 v13, v26  }
0xd5: {  	vm8 =	veq.f32 v56, $7.000000000e+00;
	v54 =	vsel vm7, $0xFF800000, v63;
	v13 =	vmax.f32 v13, v51  }
0xd6: {  	vm9 =	veq.f32 v56, $8.000000000e+00;
	v55 =	vsel vm8, $0xFF800000, v60;
	v13 =	vmax.f32 v13, v54  }
0xd7: {  	vm10 =	veq.f32 v56, $9.000000000e+00;
	v59 =	vsel vm9, $0xFF800000, v61;
	v13 =	vmax.f32 v13, v55  }
0xd8: {  	vm11 =	veq.f32 v56, $1.000000000e+01;
	v60 =	vsel vm10, $0xFF800000, v62;
	v13 =	vmax.f32 v13, v59  }
0xd9: {  	vm12 =	veq.f32 v56, $1.100000000e+01;
	v43 =	vsel vm11, $0xFF800000, v43;
	v13 =	vmax.f32 v13, v60  }
0xda: {  	vm13 =	veq.f32 v56, $1.200000000e+01;
	v39 =	vsel vm12, $0xFF800000, v44;
	v13 =	vmax.f32 v13, v43  }
0xdb: {  	vm14 =	veq.f32 v56, $1.300000000e+01;
	v40 =	vsel vm13, $0xFF800000, v45;
	v13 =	vmax.f32 v13, v39  }
0xdc: {  	vm15 =	veq.f32 v56, $1.400000000e+01;
	v38 =	vsel vm14, $0xFF800000, v46;
	v13 =	vmax.f32 v13, v40  }
0xdd: {  	vm0 =	veq.f32 v56, $1.500000000e+01;
	v41 =	vsel vm15, $0xFF800000, v47;
	v13 =	vmax.f32 v13, v38  }
0xde: {  	v37 =	vsel vm0, $0xFF800000, v48;
	v29 =	vmax.f32 v13, v41  }
0xdf: {  	v5 =	vld [tilespmem:$0x1FFA0];
	v29 =	vmax.f32 v29, v37  }
0xe0: {  	v63 =	vsub.f32 v29, v53;
	_ =	sdelay $0x1  }
0xe1: {  	v45 =	vmul.f32 $1.442695020e+00, v63;
	_ =	sdelay $0x1  }
0xe2: {  	(erf) = vpow2.f32 v45;
	v45 =	vadd.f32 v52, v58;
	v52 =	vmul.f32 v5, v28;
	v5 =	vld [tilespmem:$0x1FFB0]  }
0xe3: {  	v6 =	vld [tilespmem:$0x1FFD0];
	_ =	sdelay $0x2  }
0xe4: {  	v42 =	vsel vm1, $0x3F800000, v1  }
0xe5: {  	v58 =	vmul.f32 v5, v28;
	v5 =	vmov v42;
	v42 =	vld [tilespmem:$0x1FF90]  }
0xe6: {  	v6 =	vmul.f32 v6, v28;
	[tilespmem:s14+$0x4400] =	vst v56;
	v44 =	vsel vm3, $0x3F800000, v1;
	v46 =	vsel vm4, $0x3F800000, v1  }
0xe7: {  	v47 =	vsel vm5, $0x3F800000, v1;
	v48 =	vsel vm6, $0x3F800000, v1;
	v56 =	vsel vm8, $0x3F800000, v1;
	[tilespmem:$0x1FFA0] =	vst v5;
	v5 =	vld [tilespmem:$0x1FFC0]  }
0xe8: {  	v61 =	vsel vm9, $0x3F800000, v1;
	v62 =	vsel vm10, $0x3F800000, v1;
	v0 =	vsel vm12, $0x3F800000, v1  }
0xe9: {  	v2 =	vsel vm13, $0x3F800000, v1;
	v3 =	vsel vm14, $0x3F800000, v1;
	v4 =	vsel vm15, $0x3F800000, v1  }
0xea: {  	v13 =	vsel vm2, $0x3F800000, v1;
	v53 =	vsel vm7, $0x3F800000, v1;
	[tilespmem:s13+$0x2000] =	vst v45;
	v9 =	vadd.f32 v42, v9;
	v42 =	vmovc v57;
	v57 =	vld [tilespmem:$0x1FFE0]  }
0xeb: {  	vm1 =	veq.f32 v37, v29;
	v37 =	vmul.f32 v14, v28;
	[tilespmem:$0x1FF90] =	vst v42;
	v42 =	vadd.f32 v49, v52  }
0xec: {  	vm2 =	veq.f32 v36, v29;
	v63 =	vsel vm11, $0x3F800000, v1;
	v5 =	vmul.f32 v5, v28;
	[tilespmem:s12+$0x3C00] =	vst v9;
	s12 =	smov.u32 s13  }
0xed: {  	v49 =	vmul.f32 v7, v28;
	[tilespmem:s12+$0x2200] =	vst v42;
	v42 =	vmul.f32 v12, v28;
	v12 =	vsel vm1, $0x41700000, v8  }
0xee: {  	vm1 =	veq.f32 v41, v29;
	v41 =	vmul.f32 v16, v28;
	v5 =	vadd.f32 v35, v5  }
0xef: {  	v45 =	vmul.f32 v57, v28;
	v57 =	vadd.f32 v50, v58;
	v50 =	vmul.f32 v10, v28  }
0xf0: {  	v14 =	vmovc v44;
	v9 =	vmovc v46;
	v58 =	vmul.f32 v11, v28;
	v11 =	vsel vm1, $0x41600000, v12;
	vm1 =	veq.f32 v38, v29  }
0xf1: {  	v8 =	vmovc v48;
	v38 =	vmul.f32 v15, v28;
	[tilespmem:$0x1FFC0] =	vst v9;
	v9 =	vsel vm1, $0x41500000, v11;
	vm1 =	veq.f32 v40, v29  }
0xf2: {  	[tilespmem:$0x1FFE0] =	vst v8;
	v15 =	vmovc v2;
	v2 =	vadd.f32 v34, v6;
	v8 =	vsel vm1, $0x41400000, v9;
	vm1 =	veq.f32 v39, v29  }
0xf3: {  	[tilespmem:$0x1FFB0] =	vst v14;
	v40 =	vmul.f32 v17, v28;
	v8 =	vsel vm1, $0x41300000, v8;
	vm1 =	veq.f32 v43, v29  }
0xf4: {  	v10 =	vmovc v47;
	v17 =	vmovc v3;
	v9 =	vmul.f32 v18, v28;
	v8 =	vsel vm1, $0x41200000, v8;
	vm1 =	veq.f32 v60, v29  }
0xf5: {  	p0 =	sne.s32 s15, $0x7C0;
	[tilespmem:s12+$0x2600] =	vst v5;
	v39 =	vpop (erf);
	v3 =	vadd.f32 v33, v45;
	v8 =	vsel vm1, $0x41100000, v8;
	vm1 =	veq.f32 v59, v29  }
.Ltmp0:
0xf6: {  	v16 =	vmovc v0;
	[tilespmem:$0x1FFD0] =	vst v10;
	v18 =	vadd.f32 $1.000000000e+00, v39;
	v0 =	vsel vm1, $0x41000000, v8;
	vm1 =	veq.f32 v55, v29;
	(pc) =	sbr.rel @p0 .LBB2_2-.Ltmp0, $4  }
0xf7: {  	v14 =	vmovc v63;
	[tilespmem:s12+$0x2800] =	vst v2;
	v2 =	vadd.f32 v32, v49;
	v0 =	vsel vm1, $0x40E00000, v0;
	vm1 =	veq.f32 v54, v29  }
0xf8: {  	v7 =	vmovc v53;
	[tilespmem:s12+$0x2400] =	vst v57;
	v31 =	vadd.f32 v31, v50;
	v0 =	vsel vm1, $0x40C00000, v0;
	vm1 =	veq.f32 v51, v29  }
0xf9: {  	s13 =	smov.u32 s14;
	s14 =	sshra.s32 s15, $0x2;
	v12 =	vmovc v62;
	v30 =	vadd.f32 v30, v58;
	[tilespmem:s12+$0x2A00] =	vst v3;
	v0 =	vsel vm1, $0x40A00000, v0;
	vm1 =	veq.f32 v26, v29  }
0xfa: {  	s15 =	sadd.s32 $0x40, s15;
	v10 =	vmovc v56;
	v11 =	vmovc v61;
	(erf) = vrcp.f32 v18;
	v18 =	vmov v4;
	v26 =	vld [tilespmem:s14+$0x0];
	[tilespmem:s12+$0x2C00] =	vst v2;
	v28 =	vsel vm1, $0x40800000, v0  }
0xfb: {  	_ =	sdelay $0x4  }
0xfc: {  	v0 =	vld [tilespmem:s14+$0x200];
	[tilespmem:s12+$0x2E00] =	vst v31;
	v3 =	vadd.f32 v27, v42;
	v48 =	vsel vm2, $0x40400000, v28;
	vm1 =	veq.f32 v21, v29  }
0xfd: {  	v5 =	vadd.f32 v25, v37;
	vm15 =	veq.f32 v20, v29;
	v2 =	vld [tilespmem:s14+$0x400];
	[tilespmem:s12+$0x3000] =	vst v30;
	v50 =	vsel vm1, $0x40000000, v48  }
0xfe: {  	v6 =	vadd.f32 v22, v41;
	vm4 =	veq.f32 v19, v29;
	v4 =	vld [tilespmem:s14+$0x600];
	[tilespmem:s12+$0x3200] =	vst v3;
	v22 =	vsel vm15, $0x3F800000, v50  }
0xff: {  	v47 =	vadd.f32 v24, v38;
	v3 =	vld [tilespmem:s14+$0x800];
	[tilespmem:s12+$0x3400] =	vst v5;
	v21 =	vsel vm4, $0x0, v22;
	v20 =	vpop (erf)  }
0x100: {  	v49 =	vadd.f32 v23, v40;
	v5 =	vld [tilespmem:s14+$0xA00];
	[tilespmem:s12+$0x3600] =	vst v6;
	vm1 =	veq.f32 v21, $1.500000000e+01;
	v19 =	vmul.f32 v20, v39  }
0x101: {  	v54 =	vsel vm0, $0x3F800000, v1;
	v6 =	vld [tilespmem:s14+$0xC00];
	[tilespmem:s12+$0x3800] =	vst v47;
	v53 =	vmax.f32 v26, v0;
	v55 =	vsel vm1, $0x3F800000, v1  }
0x102: {  	v51 =	vld [tilespmem:s14+$0xE00];
	[tilespmem:s12+$0x3A00] =	vst v49;
	v22 =	vmax.f32 v53, v2;
	v25 =	vmul.f32 v54, v20;
	v27 =	vmul.f32 v55, v19  }
0x103: {  	v52 =	vld [tilespmem:s14+$0x1000];
	v22 =	vmax.f32 v22, v4;
	[tilespmem:s13+$0x4200] =	vst v19  }
0x104: {  	v22 =	vmax.f32 v22, v3;
	v56 =	vld [tilespmem:s14+$0x1200];
	[tilespmem:s13+$0x4000] =	vst v20;
	v25 =	vadd.f32 v27, v25  }
0x105: {  	v22 =	vmax.f32 v22, v5;
	v57 =	vld [tilespmem:s14+$0x1400];
	[tilespmem:s13+$0x4600] =	vst v21  }
0x106: {  	v22 =	vmax.f32 v22, v6;
	v58 =	vld [tilespmem:s14+$0x1600];
	[tilespmem:s13+$0x3E00] =	vst v25  }
0x107: {  	v22 =	vmax.f32 v22, v51;
	v25 =	vld [tilespmem:s14+$0x1800]  }
0x108: {  	v22 =	vmax.f32 v22, v52;
	v30 =	vld [tilespmem:s14+$0x1A00]  }
0x109: {  	v31 =	vld [tilespmem:s14+$0x1C00];
	v22 =	vmax.f32 v22, v56  }
0x10a: {  	v32 =	vld [tilespmem:s14+$0x1E00];
	v22 =	vmax.f32 v22, v57  }
0x10b: {  	v22 =	vmax.f32 v22, v58  }
0x10c: {  	v22 =	vmax.f32 v22, v25  }
0x10d: {  	v22 =	vmax.f32 v22, v30  }
0x10e: {  	v8 =	vimm.f32 $0.0e+00;
	v22 =	vmax.f32 v22, v31  }
0x10f: {  	v44 =	vimm.s32 $0x0;
	v45 =	vimm.s32 $0x0;
	v33 =	vmax.f32 v22, v32  }
0x110: {  	v46 =	vimm.s32 $0x0;
	vm11 =	veq.f32 v21, $0.0e+00;
	vm5 =	veq.f32 v32, v33  }
0x111: {  	vm13 =	veq.f32 v21, $1.000000000e+00;
	vm6 =	veq.f32 v31, v33;
	v59 =	vsel vm5, $0x41700000, v8  }
0x112: {  	vm3 =	veq.f32 v21, $2.000000000e+00;
	vm7 =	veq.f32 v30, v33;
	v22 =	vsel vm6, $0x41600000, v59  }
0x113: {  	vm4 =	veq.f32 v21, $3.000000000e+00;
	vm8 =	veq.f32 v25, v33;
	v22 =	vsel vm7, $0x41500000, v22  }
0x114: {  	vm0 =	veq.f32 v21, $6.000000000e+00;
	vm9 =	veq.f32 v58, v33;
	v22 =	vsel vm8, $0x41400000, v22  }
0x115: {  	v34 =	vsel vm11, $0x3F800000, v1;
	vm10 =	veq.f32 v57, v33;
	v22 =	vsel vm9, $0x41300000, v22  }
0x116: {  	v35 =	vsel vm13, $0x3F800000, v1;
	vm12 =	veq.f32 v56, v33;
	v22 =	vsel vm10, $0x41200000, v22  }
0x117: {  	v36 =	vsel vm3, $0x3F800000, v1;
	vm14 =	veq.f32 v52, v33;
	v22 =	vsel vm12, $0x41100000, v22  }
0x118: {  	v60 =	vsel vm4, $0x3F800000, v1;
	vm15 =	veq.f32 v51, v33;
	v22 =	vsel vm14, $0x41000000, v22  }
0x119: {  	v47 =	vsel vm0, $0x3F800000, v1;
	vm8 =	veq.f32 v6, v33;
	v22 =	vsel vm15, $0x40E00000, v22  }
0x11a: {  	vm0 =	veq.f32 v21, $7.000000000e+00;
	vm9 =	veq.f32 v5, v33;
	v22 =	vsel vm8, $0x40C00000, v22  }
0x11b: {  	v48 =	vsel vm0, $0x3F800000, v1;
	vm7 =	veq.f32 v3, v33;
	v22 =	vsel vm9, $0x40A00000, v22  }
0x11c: {  	v15 =	vmul.f32 v15, v20;
	vm10 =	veq.f32 v4, v33;
	v22 =	vsel vm7, $0x40800000, v22  }
0x11d: {  	vm11 =	veq.f32 v2, v33;
	vm13 =	veq.f32 v26, v33;
	v22 =	vsel vm10, $0x40400000, v22  }
0x11e: {  	vm5 =	veq.f32 v21, $4.000000000e+00;
	vm12 =	veq.f32 v0, v33;
	v22 =	vsel vm11, $0x40000000, v22  }
0x11f: {  	vm6 =	veq.f32 v21, $5.000000000e+00;
	v61 =	vsel vm5, $0x3F800000, v1;
	v22 =	vsel vm12, $0x3F800000, v22  }
0x120: {  	v59 =	vmul.f32 v60, v19;
	v62 =	vsel vm6, $0x3F800000, v1;
	v22 =	vsel vm13, $0x0, v22  }
0x121: {  	v60 =	vmul.f32 v61, v19;
	v61 =	vmul.f32 v47, v19;
	vm15 =	veq.f32 v22, $0.0e+00  }
0x122: {  	vm13 =	veq.f32 v22, $1.000000000e+00;
	vm12 =	veq.f32 v22, $2.000000000e+00;
	vm11 =	veq.f32 v22, $3.000000000e+00  }
0x123: {  	vm10 =	veq.f32 v22, $4.000000000e+00;
	vm9 =	veq.f32 v22, $5.000000000e+00;
	vm8 =	veq.f32 v22, $6.000000000e+00  }
0x124: {  	vm7 =	veq.f32 v22, $7.000000000e+00;
	vm6 =	veq.f32 v22, $8.000000000e+00;
	vm3 =	veq.f32 v22, $9.000000000e+00  }
0x125: {  	vm4 =	veq.f32 v22, $1.000000000e+01;
	vm5 =	veq.f32 v22, $1.100000000e+01;
	vm1 =	veq.f32 v22, $1.200000000e+01  }
0x126: {  	vm14 =	veq.f32 v22, $1.300000000e+01;
	v26 =	vsel vm15, $0xFF800000, v26;
	v0 =	vsel vm13, $0xFF800000, v0  }
0x127: {  	v2 =	vsel vm12, $0xFF800000, v2;
	v4 =	vsel vm11, $0xFF800000, v4;
	v63 =	vmax.f32 v26, v0  }
0x128: {  	v3 =	vsel vm10, $0xFF800000, v3;
	v5 =	vsel vm9, $0xFF800000, v5;
	v40 =	vmax.f32 v63, v2  }
0x129: {  	v6 =	vsel vm8, $0xFF800000, v6;
	v23 =	vsel vm7, $0xFF800000, v51;
	v40 =	vmax.f32 v40, v4  }
0x12a: {  	v24 =	vsel vm6, $0xFF800000, v52;
	v28 =	vsel vm3, $0xFF800000, v56;
	v40 =	vmax.f32 v40, v3  }
0x12b: {  	v29 =	vsel vm4, $0xFF800000, v57;
	v27 =	vsel vm5, $0xFF800000, v58;
	v40 =	vmax.f32 v40, v5  }
0x12c: {  	v41 =	vsel vm1, $0xFFFFFFFF, v44;
	v25 =	vsel vm1, $0xFF800000, v25;
	v40 =	vmax.f32 v40, v6  }
0x12d: {  	v30 =	vsel vm14, $0xFF800000, v30;
	vm1 =	veq.f32 v21, $8.000000000e+00;
	v40 =	vmax.f32 v40, v23  }
0x12e: {  	v56 =	vmul.f32 v34, v19;
	v57 =	vmul.f32 v35, v19;
	v40 =	vmax.f32 v40, v24  }
0x12f: {  	v58 =	vmul.f32 v36, v19;
	v34 =	vsel vm13, $0x3F800000, v1;
	v40 =	vmax.f32 v40, v28  }
0x130: {  	v44 =	vld [tilespmem:$0x1FFA0];
	[tilespmem:$0x1FF40] =	vst v41;
	v41 =	vsel vm14, $0xFFFFFFFF, v45;
	vm14 =	veq.f32 v22, $1.400000000e+01;
	v40 =	vmax.f32 v40, v29  }
0x131: {  	v35 =	vsel vm12, $0x3F800000, v1;
	[tilespmem:$0x1FF50] =	vst v41;
	v41 =	vsel vm14, $0xFFFFFFFF, v46;
	v46 =	vld [tilespmem:$0x1FF90];
	v40 =	vmax.f32 v40, v27  }
0x132: {  	v36 =	vsel vm11, $0x3F800000, v1;
	v38 =	vsel vm10, $0x3F800000, v1;
	v40 =	vmax.f32 v40, v25  }
0x133: {  	v31 =	vsel vm14, $0xFF800000, v31;
	vm14 =	veq.f32 v22, $1.500000000e+01;
	v40 =	vmax.f32 v40, v30  }
0x134: {  	v43 =	vsel vm1, $0x3F800000, v1;
	v32 =	vsel vm14, $0xFF800000, v32;
	v40 =	vmax.f32 v40, v31  }
0x135: {  	v63 =	vmul.f32 v43, v19;
	v45 =	vmul.f32 v44, v20;
	v40 =	vmax.f32 v40, v32  }
0x136: {  	v9 =	vadd.f32 v46, v9;
	vm0 =	veq.f32 v32, v40;
	vm1 =	veq.f32 v31, v40  }
0x137: {  	v51 =	vsub.f32 v40, v33;
	v32 =	vsel vm0, $0x41700000, v8;
	vm0 =	veq.f32 v21, $9.000000000e+00  }
0x138: {  	vm2 =	veq.f32 v24, v40;
	v49 =	vsel vm0, $0x3F800000, v1;
	v32 =	vsel vm1, $0x41600000, v32  }
0x139: {  	vm0 =	veq.f32 v30, v40;
	vm1 =	veq.f32 v25, v40;
	v53 =	vmul.f32 $1.442695020e+00, v51  }
0x13a: {  	v30 =	vsel vm0, $0x41500000, v32;
	vm0 =	veq.f32 v21, $1.000000000e+01;
	v39 =	vmul.f32 v49, v19  }
0x13b: {  	v50 =	vsel vm0, $0x3F800000, v1;
	v30 =	vsel vm1, $0x41400000, v30;
	vm0 =	veq.f32 v27, v40  }
0x13c: {  	v49 =	vld [tilespmem:$0x1FFC0];
	vm1 =	veq.f32 v28, v40;
	v27 =	vsel vm0, $0x41300000, v30;
	vm0 =	veq.f32 v29, v40  }
0x13d: {  	v51 =	vld [tilespmem:$0x1FFD0];
	(erf) = vpow2.f32 v53;
	v27 =	vsel vm0, $0x41200000, v27;
	vm0 =	veq.f32 v21, $1.100000000e+01  }
0x13e: {  	v25 =	vmul.f32 v50, v19;
	v52 =	vsel vm0, $0x3F800000, v1;
	vm0 =	veq.f32 v21, $1.200000000e+01  }
0x13f: {  	v27 =	vsel vm1, $0x41100000, v27;
	vm1 =	veq.f32 v21, $1.300000000e+01;
	v54 =	vsel vm0, $0x3F800000, v1  }
0x140: {  	v55 =	vsel vm1, $0x3F800000, v1;
	v27 =	vsel vm2, $0x41000000, v27;
	vm0 =	veq.f32 v21, $1.400000000e+01  }
0x141: {  	vm1 =	veq.f32 v23, v40;
	v28 =	vmul.f32 v52, v19;
	v50 =	vmul.f32 v49, v20  }
0x142: {  	v52 =	vmul.f32 v51, v20;
	v21 =	vsel vm0, $0x3F800000, v1;
	v23 =	vsel vm1, $0x40E00000, v27  }
0x143: {  	v47 =	vld [tilespmem:$0x1FFB0];
	vm0 =	veq.f32 v6, v40;
	v6 =	vsel vm15, $0x3F800000, v1;
	vm15 =	veq.f32 v5, v40  }
0x144: {  	v43 =	vmul.f32 v55, v19;
	v5 =	vadd.f32 v57, v45;
	v55 =	vmul.f32 v7, v20  }
0x145: {  	v57 =	vmul.f32 v11, v20;
	v45 =	vsel vm7, $0x3F800000, v1;
	v23 =	vsel vm0, $0x40C00000, v23  }
0x146: {  	v53 =	vld [tilespmem:$0x1FFE0];
	v27 =	vadd.f32 v59, v50;
	v59 =	vmul.f32 v14, v20;
	v50 =	vsel vm6, $0x3F800000, v1  }
0x147: {  	v23 =	vsel vm15, $0x40A00000, v23;
	vm15 =	veq.f32 v3, v40;
	v3 =	vmul.f32 v62, v19  }
0x148: {  	v62 =	vmul.f32 v48, v19;
	v48 =	vmul.f32 v47, v20;
	v8 =	vadd.f32 v61, v55  }
0x149: {  	v61 =	vmul.f32 v17, v20;
	v23 =	vsel vm15, $0x40800000, v23;
	vm15 =	veq.f32 v4, v40  }
0x14a: {  	v23 =	vsel vm15, $0x40400000, v23;
	vm15 =	veq.f32 v2, v40;
	v2 =	vmul.f32 v54, v19  }
0x14b: {  	v55 =	vsel vm4, $0x3F800000, v1;
	v19 =	vmul.f32 v21, v19;
	v54 =	vmul.f32 v53, v20  }
0x14c: {  	[tilespmem:$0x1FF60] =	vst v41;
	v41 =	vpop (erf);
	v21 =	vadd.f32 v58, v48;
	v58 =	vmul.f32 v12, v20;
	v23 =	vsel vm15, $0x40000000, v23  }
0x14d: {  	vm15 =	veq.f32 v0, v40;
	v0 =	vmul.f32 v13, v20;
	v42 =	vadd.f32 $1.000000000e+00, v41  }
0x14e: {  	v13 =	vadd.f32 v60, v52;
	v60 =	vmul.f32 v16, v20;
	v16 =	vadd.f32 v43, v61  }
0x14f: {  	v23 =	vsel vm15, $0x3F800000, v23;
	v3 =	vadd.f32 v3, v54;
	v4 =	vadd.f32 v39, v58  }
0x150: {  	vm15 =	veq.f32 v26, v40;
	v2 =	vadd.f32 v2, v15;
	v0 =	vadd.f32 v56, v0  }
0x151: {  	[tilespmem:s14+$0x4400] =	vst v22;
	v39 =	vsel vm9, $0x3F800000, v1;
	v54 =	vsel vm3, $0x3F800000, v1;
	(erf) = vrcp.f32 v42  }
0x152: {  	v56 =	vmul.f32 v10, v20;
	v10 =	vadd.f32 v63, v57;
	v63 =	vadd.f32 v25, v59;
	[tilespmem:s13+$0x2000] =	vst v0  }
0x153: {  	v25 =	vadd.f32 v28, v60;
	v28 =	vsel vm15, $0x0, v23;
	v42 =	vsel vm8, $0x3F800000, v1;
	[tilespmem:s12+$0x3C00] =	vst v9  }
0x154: {  	vm0 =	veq.f32 v28, $1.500000000e+01;
	vm15 =	veq.f32 v28, $0.0e+00;
	vm12 =	veq.f32 v28, $1.000000000e+00;
	[tilespmem:s13+$0x2200] =	vst v5  }
0x155: {  	vm13 =	veq.f32 v28, $2.000000000e+00;
	vm7 =	veq.f32 v28, $5.000000000e+00;
	vm2 =	veq.f32 v28, $6.000000000e+00;
	[tilespmem:s13+$0x2400] =	vst v21  }
0x156: {  	vm9 =	veq.f32 v28, $9.000000000e+00;
	vm8 =	veq.f32 v28, $1.200000000e+01;
	v7 =	vadd.f32 v62, v56;
	[tilespmem:s13+$0x2600] =	vst v27  }
0x157: {  	v62 =	vmul.f32 v18, v20;
	v0 =	vsel vm14, $0x3F800000, v1;
	v31 =	vsel vm0, $0x3F800000, v1;
	[tilespmem:s13+$0x2800] =	vst v13  }
0x158: {  	v33 =	vsel vm15, $0x3F800000, v1;
	v37 =	vsel vm12, $0x3F800000, v1;
	vm14 =	veq.f32 v28, $3.000000000e+00;
	[tilespmem:s13+$0x2A00] =	vst v3  }
0x159: {  	v40 =	vsel vm13, $0x3F800000, v1;
	vm15 =	veq.f32 v28, $4.000000000e+00;
	vm12 =	veq.f32 v28, $7.000000000e+00;
	[tilespmem:s13+$0x2C00] =	vst v8  }
0x15a: {  	vm13 =	veq.f32 v28, $8.000000000e+00;
	v48 =	vsel vm7, $0x3F800000, v1;
	vm7 =	veq.f32 v28, $1.300000000e+01;
	[tilespmem:s13+$0x2E00] =	vst v7  }
0x15b: {  	vm0 =	veq.f32 v28, $1.400000000e+01;
	v51 =	vsel vm2, $0x3F800000, v1;
	v56 =	vsel vm5, $0x3F800000, v1;
	[tilespmem:s13+$0x3000] =	vst v10  }
0x15c: {  	v57 =	vsel vm9, $0x3F800000, v1;
	v60 =	vsel vm8, $0x3F800000, v1;
	v46 =	vsel vm15, $0x3F800000, v1;
	[tilespmem:s13+$0x3200] =	vst v4;
	v29 =	vpop (erf)  }
0x15d: {  	vm15 =	veq.f32 v28, $1.100000000e+01;
	v52 =	vsel vm13, $0x3F800000, v1;
	[tilespmem:s13+$0x3400] =	vst v63;
	v30 =	vmul.f32 v29, v41  }
0x15e: {  	v61 =	vsel vm7, $0x3F800000, v1;
	[tilespmem:s13+$0x3600] =	vst v25;
	v0 =	vmul.f32 v0, v29;
	v6 =	vmul.f32 v6, v29  }
0x15f: {  	v3 =	vadd.f32 v19, v62;
	[tilespmem:s13+$0x3800] =	vst v2;
	v5 =	vmul.f32 v34, v29;
	v9 =	vmul.f32 v35, v29  }
0x160: {  	[tilespmem:s13+$0x3A00] =	vst v16;
	v62 =	vsel vm0, $0x3F800000, v1;
	v43 =	vmul.f32 v36, v29;
	v32 =	vmul.f32 v31, v30  }
0x161: {  	[tilespmem:s14+$0x4600] =	vst v28;
	v41 =	vsel vm14, $0x3F800000, v1;
	v47 =	vmul.f32 v38, v29;
	v20 =	vmul.f32 v33, v30  }
0x162: {  	v49 =	vmul.f32 v39, v29;
	[tilespmem:s14+$0x4000] =	vst v29;
	v10 =	vmul.f32 v42, v29;
	v0 =	vadd.f32 v32, v0  }
0x163: {  	v8 =	vmul.f32 v40, v30;
	[tilespmem:s14+$0x4200] =	vst v30;
	v6 =	vadd.f32 v20, v6;
	v20 =	vmul.f32 v37, v30  }
0x164: {  	vm14 =	veq.f32 v28, $1.000000000e+01;
	v7 =	vmul.f32 v41, v30;
	v11 =	vmul.f32 v51, v30;
	[tilespmem:s14+$0x3E00] =	vst v0  }
0x165: {  	v44 =	vadd.f32 v8, v9;
	v5 =	vadd.f32 v20, v5;
	v0 =	vsel vm12, $0x3F800000, v1;
	[tilespmem:s14+$0x2000] =	vst v6  }
0x166: {  	v7 =	vadd.f32 v7, v43;
	v8 =	vmul.f32 v45, v29;
	v0 =	vmul.f32 v0, v30;
	[tilespmem:s13+$0x3C00] =	vst v3  }
0x167: {  	v59 =	vld [tilespmem:$0x1FF50];
	v53 =	vmul.f32 v50, v29;
	v9 =	vmul.f32 v46, v30;
	v3 =	vadd.f32 v11, v10;
	[tilespmem:s14+$0x2200] =	vst v5  }
0x168: {  	v4 =	vmul.f32 v56, v29;
	v6 =	vmul.f32 v52, v30;
	[tilespmem:s14+$0x2600] =	vst v7;
	v0 =	vadd.f32 v0, v8  }
0x169: {  	v58 =	vsel vm14, $0x3F800000, v1;
	v2 =	vadd.f32 v9, v47;
	v9 =	vmul.f32 v48, v30;
	[tilespmem:s14+$0x2C00] =	vst v3;
	v3 =	vld [tilespmem:$0x1FF40]  }
0x16a: {  	v10 =	vmul.f32 v57, v30;
	v6 =	vadd.f32 v6, v53;
	v5 =	vmul.f32 v54, v29;
	[tilespmem:s14+$0x2E00] =	vst v0;
	v0 =	vld [tilespmem:$0x1FF60]  }
0x16b: {  	[tilespmem:s14+$0x2800] =	vst v2;
	v2 =	vsel vm15, $0x3F800000, v1;
	v7 =	vmul.f32 v58, v30;
	v8 =	vmul.f32 v55, v29  }
0x16c: {  	vm14 =	vnez.u8 v59;
	v9 =	vadd.f32 v9, v49;
	v2 =	vmul.f32 v2, v30  }
0x16d: {  	v5 =	vadd.f32 v10, v5;
	[tilespmem:s14+$0x3000] =	vst v6;
	v6 =	vmul.f32 v61, v30;
	v7 =	vadd.f32 v7, v8  }
0x16e: {  	[tilespmem:s14+$0x2400] =	vst v44;
	v8 =	vsel vm14, $0x3F800000, v1;
	v2 =	vadd.f32 v2, v4;
	vm13 =	vnez.u8 v3  }
0x16f: {  	[tilespmem:s14+$0x2A00] =	vst v9;
	v8 =	vmul.f32 v8, v29;
	v3 =	vsel vm13, $0x3F800000, v1;
	vm15 =	vnez.u8 v0  }
0x170: {  	v4 =	vmul.f32 v60, v30;
	[tilespmem:s14+$0x3200] =	vst v5;
	v3 =	vmul.f32 v3, v29;
	v0 =	vsel vm15, $0x3F800000, v1  }
0x171: {  	v5 =	vmul.f32 v62, v30;
	[tilespmem:s14+$0x3400] =	vst v7;
	v63 =	vadd.f32 v6, v8;
	v0 =	vmul.f32 v0, v29  }
0x172: {  	[tilespmem:s14+$0x3600] =	vst v2;
	v3 =	vadd.f32 v4, v3  }
0x173: {  	[tilespmem:s14+$0x3A00] =	vst v63;
	v0 =	vadd.f32 v5, v0  }
0x174: {  	[tilespmem:s14+$0x3800] =	vst v3  }
0x175: {  	[tilespmem:s14+$0x3C00] =	vst v0  }
0x176: {  	[hbm4b:s4+s7] =	stream.strided.scatter [tilespmem:s10], [sflag:$0x1], $0x2000, s8, s7, $0x38;
	[tilespmem:$0x4800] =	vst v63  }
0x177: {  	s11 =	sadd.s32 $0x1, s11;
	_ =	swait.ge [sflag:s9], $0x2000  }
0x178: {  	p0 =	sne.s32 s11, s6;
	[sflag:s9] =	ssyncset.done $0x0  }
.Ltmp1:
0x179: {  	[sflag:s9] =	ssyncadd.s32 $0xFFFFE000;
	(pc) =	sbr.rel @p0 .LBB2_1-.Ltmp1, $4  }
0x17a: {  	[hbm4b:s5+s7] =	stream.strided.scatter [tilespmem:s8], [sflag:$0x1], $0x800, s8, s7, $0x38;
	[tilespmem:$0x4800] =	vst v63  }
0x17b: {  	_ =	swait.ge [sflag:s9], $0x800  }
0x17c: {  	[sflag:s9] =	ssyncset.done $0x0  }
0x17d: {  	[sflag:s9] =	ssyncadd.s32 $0xFFFFF800  }
0x17e: {  	_ =	sfence.sel $0x180000  }
0x17f: {  	[bflag:$0x0] =	sbarrier.arrive $0xFFFF  }
0x180: {  	p0 =	sne.s32 s1, $0x0;
	_ =	strace $0x90000047  }
0x181: {  	s0 =	sadd.s32 @!p0 $0x100000, s0;
	[bflag:$0x2] =	sbarrier.arrive $0xFFFF  }
0x182: {  	[sflag:s0] =	ssyncadd.tile.s32 @!p0 $0x1;
	_ =	shalt  }
.Lfunc_end2:
_tile_overlayer_lowered:
.L_overlay_start_2:
0x183: {  	(tag) =	ssettag $0x2  }
0x184: {  	s0 =	rddreg [dreg:$0x0];
	s2 =	stileid.u32  }
0x185: {  	s1 =	rddreg [dreg:$0x1];
	p0 =	sne.s32 s2, $0x0  }
0x186: {  	s3 =	rddreg [dreg:$0x2];
	[bflag:$0x3] =	sbarrier.arrive $0xFFFF;
	s2 =	simm.s32 @!p0 $0x1C01  }
0x187: {  	[timem:s3], [sflag:s2] =	dma.local @!p0 [hbm:s0], s1  }
0x188: {  	s0 =	simm.s32 @!p0 $0x1  }
0x189: {  	_ =	swait.ge @!p0 [sflag:s0], s1  }
0x18a: {  	s1 =	ssub.s32 @!p0 $0x0, s1;
	[sflag:s0] =	ssyncset.done @!p0 $0x0  }
0x18b: {  	[sflag:s0] =	ssyncadd.s32 @!p0 s1  }
0x18c: {  	[bflag:$0x3] =	sbarrier.arrive $0xFFFF  }
0x18d: {  	_ =	shalt  }

</sc_bundles>
